<compile_context>
chip_gen: v7x
topology: tpu7x:2x2x1
jax: 0.10.2.dev20260603
libtpu: 0.0.44.dev20260713+nightly
codegen_flags: <defaults>
</compile_context>

<pallas_src>
import jax
import jax.numpy as jnp
from jax import lax
from jax.experimental import pallas as pl
from jax.experimental.pallas import tpu as pltpu
from jax.experimental.pallas import tpu_sc as plsc

_TOPK = 5
_NPRED = 5000
_NPAD = 5056
_CHUNKS = 316
_NGT = 100
_GTPAD = 104
_B = 8
_NC, _NS = 2, 16
_NW = _NC * _NS
_GT_BLOCKS = _NW // _B
_SC_COLS = 5
_SC_GTS = _GT_BLOCKS * _SC_COLS
_GT_OFF = _NGT - _SC_GTS
_OUTW = 64


def _sc_match(pb_hbm, gt_hbm, out_hbm,
              px0, py0, px1, py1, pap, g0, g1, g2, g3,
              cbuf, candi, mbc, mbi, outb):
    c = lax.axis_index("c")
    s = lax.axis_index("s")
    w = s * _NC + c
    b = w // _GT_BLOCKS
    gc = w % _GT_BLOCKS

    pltpu.sync_copy(pb_hbm.at[b, 0], px0)
    pltpu.sync_copy(pb_hbm.at[b, 1], py0)
    pltpu.sync_copy(pb_hbm.at[b, 2], px1)
    pltpu.sync_copy(pb_hbm.at[b, 3], py1)
    pltpu.sync_copy(gt_hbm.at[b, 0], g0)
    pltpu.sync_copy(gt_hbm.at[b, 1], g1)
    pltpu.sync_copy(gt_hbm.at[b, 2], g2)
    pltpu.sync_copy(gt_hbm.at[b, 3], g3)

    lane = lax.iota(jnp.int32, 16)
    inf = float("inf")

    def area_body(i, carry):
        o = i * 16
        pap[pl.ds(o, 16)] = ((px1[pl.ds(o, 16)] - px0[pl.ds(o, 16)])
                             * (py1[pl.ds(o, 16)] - py0[pl.ds(o, 16)]))
        return carry

    lax.fori_loop(0, _NPAD // 16, area_body, 0)

    def col_body(col, carry):
        j = _GT_OFF + gc * _SC_COLS + col
        jv = jnp.full((16,), j, jnp.int32)
        gx0 = plsc.load_gather(g0, [jv])
        gy0 = plsc.load_gather(g1, [jv])
        gx1 = plsc.load_gather(g2, [jv])
        gy1 = plsc.load_gather(g3, [jv])
        area_g = (gx1 - gx0) * (gy1 - gy0)
        inf16 = jnp.full((16,), inf, jnp.float32)

        def cost_of(o):
            x0 = px0[pl.ds(o, 16)]
            y0 = py0[pl.ds(o, 16)]
            x1 = px1[pl.ds(o, 16)]
            y1 = py1[pl.ds(o, 16)]
            ap = pap[pl.ds(o, 16)]
            l1 = (jnp.abs(x0 - gx0) + jnp.abs(y0 - gy0)
                  + jnp.abs(x1 - gx1) + jnp.abs(y1 - gy1))
            ltx = jnp.maximum(x0, gx0)
            lty = jnp.maximum(y0, gy0)
            rbx = jnp.minimum(x1, gx1)
            rby = jnp.minimum(y1, gy1)
            whx = jnp.maximum(rbx - ltx, 0.0)
            why = jnp.maximum(rby - lty, 0.0)
            inter = whx * why
            union = ap + area_g - inter
            iou = inter / union
            cxw = jnp.maximum(x1, gx1) - jnp.minimum(x0, gx0)
            cyw = jnp.maximum(y1, gy1) - jnp.minimum(y0, gy0)
            area_c = cxw * cyw
            giou = iou - (area_c - union) / area_c
            return 1.0 * l1 + 1.0 * (1.0 - giou)

        def pass_a(ch, runmin):
            o = ch * 64
            c0 = cost_of(o)
            c1 = cost_of(o + 16)
            c2 = cost_of(o + 32)
            c3 = cost_of(o + 48)
            cbuf[pl.ds(o, 16)] = c0
            cbuf[pl.ds(o + 16, 16)] = c1
            cbuf[pl.ds(o + 32, 16)] = c2
            cbuf[pl.ds(o + 48, 16)] = c3
            m01 = jnp.minimum(c0, c1)
            m23 = jnp.minimum(c2, c3)
            return jnp.minimum(runmin, jnp.minimum(m01, m23))

        runmin = lax.fori_loop(0, _CHUNKS // 4, pass_a, inf16)

        smin, _ = plsc.sort_key_val(runmin, lane)
        mbc[pl.ds(0, 16)] = smin
        k4 = jnp.full((16,), _TOPK - 1, jnp.int32)
        tau = plsc.load_gather(mbc, [k4])

        def append(o, cnt):
            cval = cbuf[pl.ds(o, 16)]
            m = cval <= tau
            pref = plsc.cumsum(m.astype(jnp.int32))
            tgt = cnt + pref - 1
            plsc.store_scatter(candi, [tgt], o + lane, mask=m)
            return cnt + plsc.all_reduce_population_count(m)

        def pass_b(ch, cnt):
            o = ch * 64
            cnt = append(o, cnt)
            cnt = append(o + 16, cnt)
            cnt = append(o + 32, cnt)
            return append(o + 48, cnt)

        cnt = lax.fori_loop(0, _CHUNKS // 4, pass_b,
                            jnp.zeros((16,), jnp.int32))
        cnt_s = jnp.max(cnt)
        ngroups = (cnt_s + 15) // 16

        def pass_c(g, st):
            run_c, run_i = st
            o = g * 16
            ordn = o + lane
            valid = ordn < cnt
            ival = jnp.where(valid, candi[pl.ds(o, 16)], 0)
            cval = jnp.where(valid, plsc.load_gather(cbuf, [ival]), inf)
            skey, sval = plsc.sort_key_val(cval, ival)
            mbc[pl.ds(0, 16)] = run_c
            mbi[pl.ds(0, 16)] = run_i
            mbc[pl.ds(16, 16)] = skey
            mbi[pl.ds(16, 16)] = sval
            gsel = jnp.where(lane < _TOPK, lane, lane + 11)
            mk = plsc.load_gather(mbc, [gsel])
            mv = plsc.load_gather(mbi, [gsel])
            nk, nv = plsc.sort_key_val(mk, mv)
            return (nk, nv)

        run_c, run_i = lax.fori_loop(
            0, ngroups, pass_c, (inf16, jnp.zeros((16,), jnp.int32)))

        plsc.store_scatter(outb, [col * _TOPK + lane], run_i,
                           mask=lane < _TOPK)
        return carry

    lax.fori_loop(0, _SC_COLS, col_body, 0)
    pltpu.sync_copy(outb, out_hbm.at[w])


def _tc_match(pb_ref, gt_ref, out_ref):
    pb = pb_ref[0]
    gt = gt_ref[0]
    px0 = pb[0:1, :_NPRED]
    py0 = pb[1:2, :_NPRED]
    px1 = pb[2:3, :_NPRED]
    py1 = pb[3:4, :_NPRED]
    gx0 = gt[:, 0:1]
    gy0 = gt[:, 1:2]
    gx1 = gt[:, 2:3]
    gy1 = gt[:, 3:4]

    cost_bbox = (jnp.abs(px0 - gx0) + jnp.abs(py0 - gy0)
                 + jnp.abs(px1 - gx1) + jnp.abs(py1 - gy1))
    area_p = (px1 - px0) * (py1 - py0)
    area_g = (gx1 - gx0) * (gy1 - gy0)
    lt_x = jnp.maximum(px0, gx0)
    lt_y = jnp.maximum(py0, gy0)
    rb_x = jnp.minimum(px1, gx1)
    rb_y = jnp.minimum(py1, gy1)
    wh_x = jnp.maximum(rb_x - lt_x, 0.0)
    wh_y = jnp.maximum(rb_y - lt_y, 0.0)
    inter = wh_x * wh_y
    union = area_p + area_g - inter
    iou = inter / union
    cx = jnp.maximum(px1, gx1) - jnp.minimum(px0, gx0)
    cy = jnp.maximum(py1, gy1) - jnp.minimum(py0, gy0)
    area_c = jnp.maximum(cx, 0.0) * jnp.maximum(cy, 0.0)
    giou = iou - (area_c - union) / area_c
    C = 1.0 * cost_bbox + 1.0 * (1.0 - giou)

    n_gt, n_pred = C.shape
    iot = jax.lax.broadcasted_iota(jnp.int32, (n_gt, n_pred), 1)
    cols = []
    for _ in range(_TOPK):
        m = jnp.min(C, axis=1, keepdims=True)
        imin = jnp.min(jnp.where(C == m, iot, 2**30), axis=1,
                       keepdims=True)
        cols.append(imin)
        C = jnp.where(iot == imin, jnp.inf, C)
    out_ref[0] = jnp.concatenate(cols, axis=1)


def kernel(pred_box, pred_obj, gt_box, gt_obj):
    del pred_obj, gt_obj
    B, N, _ = pred_box.shape
    M = gt_box.shape[1]
    pb_sc = jnp.pad(pred_box, ((0, 0), (0, _NPAD - N), (0, 0)),
                    constant_values=1e6).transpose(0, 2, 1)
    gt_sc = jnp.pad(gt_box.transpose(0, 2, 1),
                    ((0, 0), (0, 0), (0, _GTPAD - M)))

    run_sc = pl.kernel(
        _sc_match,
        out_type=jax.ShapeDtypeStruct((_NW, _OUTW), jnp.int32),
        mesh=plsc.VectorSubcoreMesh(core_axis_name="c", subcore_axis_name="s",
                                    num_cores=_NC, num_subcores=_NS),
        scratch_types=(
            [pltpu.VMEM((_NPAD,), jnp.float32)] * 5
            + [pltpu.VMEM((_GTPAD,), jnp.float32)] * 4
            + [pltpu.VMEM((_NPAD,), jnp.float32),
               pltpu.VMEM((_NPAD,), jnp.int32),
               pltpu.VMEM((32,), jnp.float32),
               pltpu.VMEM((32,), jnp.int32),
               pltpu.VMEM((_OUTW,), jnp.int32)]
        ),
        compiler_params=pltpu.CompilerParams(needs_layout_passes=False),
    )
    sc_out = run_sc(pb_sc, gt_sc)

    m_tc = _GT_OFF
    tc_idx = pl.pallas_call(
        _tc_match,
        grid=(B,),
        in_specs=[
            pl.BlockSpec((1, 4, _NPAD), lambda b: (b, 0, 0)),
            pl.BlockSpec((1, m_tc, 4), lambda b: (b, 0, 0)),
        ],
        out_specs=pl.BlockSpec((1, m_tc, _TOPK), lambda b: (b, 0, 0)),
        out_shape=jax.ShapeDtypeStruct((B, m_tc, _TOPK), jnp.int32),
    )(pb_sc, gt_box[:, :m_tc, :])

    sc_idx = sc_out[:, :_SC_COLS * _TOPK].reshape(B, _SC_GTS, _TOPK)
    matched_pred = jnp.concatenate([tc_idx, sc_idx], axis=1).reshape(
        B, M * _TOPK)
    matched_gt = jnp.broadcast_to(
        jnp.repeat(jnp.arange(M, dtype=jnp.int32), _TOPK), (B, M * _TOPK))
    return matched_pred, matched_gt

# --- scband reference (transcript-rebuilt; emitter-appended) ---
"""Pipeline reference for scband-hungarian-matcher-dynamic-k-49220325212496 (READ-ONLY COPY).

The authoritative reference and input builder live on the scoring server;
editing this copy changes nothing except your own understanding.
"""

import jax, jax.numpy as jnp
import numpy as np

TOPK = 5
COST_BBOX = 1.0
COST_GIOU = 1.0


def _make_boxes(key, B, N):
    k1, k2 = jax.random.split(key)
    c = jax.random.uniform(k1, (B, N, 2), dtype=jnp.float32)
    wh = jax.random.uniform(k2, (B, N, 2), dtype=jnp.float32) * 0.3 + 0.01
    return jnp.concatenate([c - wh / 2.0, c + wh / 2.0], axis=-1)


def setup_inputs(seed: int = 0) -> dict:
    key = jax.random.key(seed)
    k0, k1, k2, k3 = jax.random.split(key, 4)
    pred_box = _make_boxes(k0, 8, 5000)
    gt_box = _make_boxes(k1, 8, 100)
    pred_obj = jax.random.uniform(k2, (8, 5000), dtype=jnp.float32)
    gt_obj = jax.random.uniform(k3, (8, 100), dtype=jnp.float32)
    return {"pred_box": pred_box, "pred_obj": pred_obj, "gt_box": gt_box, "gt_obj": gt_obj}


def _generalized_box_iou(boxes1, boxes2):
    # boxes in xyxy format; boxes1 [N,4], boxes2 [M,4]
    area1 = (boxes1[:, 2] - boxes1[:, 0]) * (boxes1[:, 3] - boxes1[:, 1])
    area2 = (boxes2[:, 2] - boxes2[:, 0]) * (boxes2[:, 3] - boxes2[:, 1])
    lt = jnp.maximum(boxes1[:, None, :2], boxes2[None, :, :2])
    rb = jnp.minimum(boxes1[:, None, 2:], boxes2[None, :, 2:])
    wh = jnp.clip(rb - lt, 0.0)
    inter = wh[..., 0] * wh[..., 1]
    union = area1[:, None] + area2[None, :] - inter
    iou = inter / union
    lt_c = jnp.minimum(boxes1[:, None, :2], boxes2[None, :, :2])
    rb_c = jnp.maximum(boxes1[:, None, 2:], boxes2[None, :, 2:])
    wh_c = jnp.clip(rb_c - lt_c, 0.0)
    area_c = wh_c[..., 0] * wh_c[..., 1]
    return iou - (area_c - union) / area_c


def _match_one(pb, gb):
    # pb [N_pred,4], gb [N_gt,4]
    cost_bbox = jnp.sum(jnp.abs(pb[:, None, :] - gb[None, :, :]), axis=-1)  # L1 cdist
    cost_giou = 1.0 - _generalized_box_iou(pb, gb)
    C = COST_BBOX * cost_bbox + COST_GIOU * cost_giou  # [N_pred, N_gt]
    # topk smallest per gt column == top_k of negated column
    _, idx = jax.lax.top_k(-C.T, TOPK)  # [N_gt, TOPK]
    matched_pred = idx.reshape(-1)
    matched_gt = jnp.repeat(jnp.arange(gb.shape[0], dtype=jnp.int32), TOPK)
    return matched_pred, matched_gt


def reference(pred_box, pred_obj, gt_box, gt_obj):
    # pred_obj / gt_obj are accepted but unused by the matcher cost (faithful to module)
    matched_pred, matched_gt = jax.vmap(_match_one)(pred_box, gt_box)
    # [B, N_gt*TOPK] each; row b corresponds to indices[b] in the torch module
    return matched_pred, matched_gt

if __name__ == "__main__":
    import jax
    _d = setup_inputs()
    print(jax.jit(kernel)(*tuple(_d.values())))

</pallas_src>

<mosaic_0001>
#map = affine_map<(d0, d1) -> (0, 0, 0)>
#map1 = affine_map<(d0, d1) -> (0, 0)>
module attributes {stable_mosaic.version = 14 : i64} {
  func.func @_sc_match(%arg0: i32, %arg1: i32, %arg2: memref<8x4x5056xf32, #tpu.memory_space<hbm>>, %arg3: memref<8x4x104xf32, #tpu.memory_space<hbm>>, %arg4: memref<32x64xi32, #tpu.memory_space<hbm>>, %arg5: memref<5056xf32, #tpu.memory_space<vmem>>, %arg6: memref<5056xf32, #tpu.memory_space<vmem>>, %arg7: memref<5056xf32, #tpu.memory_space<vmem>>, %arg8: memref<5056xf32, #tpu.memory_space<vmem>>, %arg9: memref<5056xf32, #tpu.memory_space<vmem>>, %arg10: memref<104xf32, #tpu.memory_space<vmem>>, %arg11: memref<104xf32, #tpu.memory_space<vmem>>, %arg12: memref<104xf32, #tpu.memory_space<vmem>>, %arg13: memref<104xf32, #tpu.memory_space<vmem>>, %arg14: memref<5056xf32, #tpu.memory_space<vmem>>, %arg15: memref<5056xi32, #tpu.memory_space<vmem>>, %arg16: memref<32xf32, #tpu.memory_space<vmem>>, %arg17: memref<32xi32, #tpu.memory_space<vmem>>, %arg18: memref<64xi32, #tpu.memory_space<vmem>>) attributes {dimension_semantics = [#tpu.dimension_semantics<core_parallel>, #tpu.dimension_semantics<subcore_parallel>], iteration_bounds = array<i64: 2, 16>, scalar_prefetch = 0 : i64, scratch_operands = 14 : i64, tpu.core_type = #tpu.core_type<sc_vector_subcore>, window_params = [{transform_indices = #map}, {transform_indices = #map}, {transform_indices = #map1}]} {
    %mul3A = arith.constant 2 : i32
    %mul3A_0 = arith.muli %arg1, %mul3A : i32
    %add3A = arith.addi %mul3A_0, %arg0 : i32
    %jit3A = arith.constant 4 : i32
    %div3A = arith.divsi %add3A, %jit3A : i32
    %sign3A = arith.constant 0 : i32
    %sign3A_1 = arith.cmpi sgt, %add3A, %sign3A : i32
    %sign3A_2 = arith.extui %sign3A_1 : i1 to i32
    %sign3A_3 = arith.constant 0 : i32
    %sign3A_4 = arith.cmpi slt, %add3A, %sign3A_3 : i32
    %sign3A_5 = arith.extui %sign3A_4 : i1 to i32
    %sign3A_6 = arith.subi %sign3A_2, %sign3A_5 : i32
    %sign3A_7 = arith.constant 0 : i32
    %sign3A_8 = arith.cmpi sgt, %jit3A, %sign3A_7 : i32
    %sign3A_9 = arith.extui %sign3A_8 : i1 to i32
    %sign3A_10 = arith.constant 0 : i32
    %sign3A_11 = arith.cmpi slt, %jit3A, %sign3A_10 : i32
    %sign3A_12 = arith.extui %sign3A_11 : i1 to i32
    %sign3A_13 = arith.subi %sign3A_9, %sign3A_12 : i32
    %ne3A = arith.cmpi ne, %sign3A_6, %sign3A_13 : i32
    %rem3A = arith.remsi %add3A, %jit3A : i32
    %ne3A_14 = arith.constant 0 : i32
    %ne3A_15 = arith.cmpi ne, %rem3A, %ne3A_14 : i32
    %and3A = arith.andi %ne3A, %ne3A_15 : i1
    %sub3A = arith.constant 1 : i32
    %sub3A_16 = arith.subi %div3A, %sub3A : i32
    %select_n3A = arith.select %and3A, %sub3A_16, %div3A : i32
    %jit3A_17 = arith.constant 4 : i32
    %eq3A = arith.constant 0 : i32
    %eq3A_18 = arith.cmpi eq, %jit3A_17, %eq3A : i32
    %jit3A_19 = arith.constant 1 : i32
    %select_n3A_20 = arith.select %eq3A_18, %jit3A_19, %jit3A_17 : i32
    %rem3A_21 = arith.remsi %add3A, %select_n3A_20 : i32
    %ne3A_22 = arith.constant 0 : i32
    %ne3A_23 = arith.cmpi ne, %rem3A_21, %ne3A_22 : i32
    %lt3A = arith.constant 0 : i32
    %lt3A_24 = arith.cmpi slt, %rem3A_21, %lt3A : i32
    %lt3A_25 = arith.constant 0 : i32
    %lt3A_26 = arith.cmpi slt, %select_n3A_20, %lt3A_25 : i32
    %ne3A_27 = arith.xori %lt3A_24, %lt3A_26 : i1
    %and3A_28 = arith.andi %ne3A_27, %ne3A_23 : i1
    %add3A_29 = arith.addi %rem3A_21, %select_n3A_20 : i32
    %select_n3A_30 = arith.select %and3A_28, %add3A_29, %rem3A_21 : i32
    %run_scoped3A = arith.constant 0 : i32
    "tpu.region"() ({
      %run_scoped3A_49 = tpu.sem_alloc : memref<!tpu.dma_semaphore, #tpu.memory_space<semaphore_mem>>
      %dma_start3A = arith.constant 0 : i32
      %dma_start3A_50 = tpu.memref_slice %arg2[%select_n3A, %run_scoped3A, %dma_start3A] : memref<8x4x5056xf32, #tpu.memory_space<hbm>> -> memref<1x1x5056xf32, #tpu.memory_space<hbm>>
      %dma_start3A_51 = tpu.memref_squeeze %dma_start3A_50 : memref<1x1x5056xf32, #tpu.memory_space<hbm>> -> memref<5056xf32, #tpu.memory_space<hbm>>
      %dma_start3A_52 = arith.constant 0 : i32
      %dma_start3A_53 = tpu.memref_slice %arg2[%select_n3A, %run_scoped3A, %dma_start3A_52] : memref<8x4x5056xf32, #tpu.memory_space<hbm>> -> memref<1x1x5056xf32, #tpu.memory_space<hbm>>
      %dma_start3A_54 = tpu.memref_squeeze %dma_start3A_53 : memref<1x1x5056xf32, #tpu.memory_space<hbm>> -> memref<5056xf32, #tpu.memory_space<hbm>>
      tpu.enqueue_dma source(%dma_start3A_54 : memref<5056xf32, #tpu.memory_space<hbm>>) target(%arg5 : memref<5056xf32, #tpu.memory_space<vmem>>) target_semaphore(%run_scoped3A_49 : memref<!tpu.dma_semaphore, #tpu.memory_space<semaphore_mem>>)
      %dma_wait3A = arith.constant 0 : i32
      %dma_wait3A_55 = tpu.memref_slice %arg2[%select_n3A, %run_scoped3A, %dma_wait3A] : memref<8x4x5056xf32, #tpu.memory_space<hbm>> -> memref<1x1x5056xf32, #tpu.memory_space<hbm>>
      %dma_wait3A_56 = tpu.memref_squeeze %dma_wait3A_55 : memref<1x1x5056xf32, #tpu.memory_space<hbm>> -> memref<5056xf32, #tpu.memory_space<hbm>>
      %dma_wait3A_57 = arith.constant 0 : i32
      %dma_wait3A_58 = tpu.memref_slice %arg2[%select_n3A, %run_scoped3A, %dma_wait3A_57] : memref<8x4x5056xf32, #tpu.memory_space<hbm>> -> memref<1x1x5056xf32, #tpu.memory_space<hbm>>
      %dma_wait3A_59 = tpu.memref_squeeze %dma_wait3A_58 : memref<1x1x5056xf32, #tpu.memory_space<hbm>> -> memref<5056xf32, #tpu.memory_space<hbm>>
      tpu.wait_dma2 semaphore(%run_scoped3A_49 : memref<!tpu.dma_semaphore, #tpu.memory_space<semaphore_mem>>) src(%dma_wait3A_59 : memref<5056xf32, #tpu.memory_space<hbm>>) dst(%arg5 : memref<5056xf32, #tpu.memory_space<vmem>>)
      tpu.yield
    }) : () -> ()
    %run_scoped3A_31 = arith.constant 1 : i32
    "tpu.region"() ({
      %run_scoped3A_49 = tpu.sem_alloc : memref<!tpu.dma_semaphore, #tpu.memory_space<semaphore_mem>>
      %dma_start3A = arith.constant 0 : i32
      %dma_start3A_50 = tpu.memref_slice %arg2[%select_n3A, %run_scoped3A_31, %dma_start3A] : memref<8x4x5056xf32, #tpu.memory_space<hbm>> -> memref<1x1x5056xf32, #tpu.memory_space<hbm>>
      %dma_start3A_51 = tpu.memref_squeeze %dma_start3A_50 : memref<1x1x5056xf32, #tpu.memory_space<hbm>> -> memref<5056xf32, #tpu.memory_space<hbm>>
      %dma_start3A_52 = arith.constant 0 : i32
      %dma_start3A_53 = tpu.memref_slice %arg2[%select_n3A, %run_scoped3A_31, %dma_start3A_52] : memref<8x4x5056xf32, #tpu.memory_space<hbm>> -> memref<1x1x5056xf32, #tpu.memory_space<hbm>>
      %dma_start3A_54 = tpu.memref_squeeze %dma_start3A_53 : memref<1x1x5056xf32, #tpu.memory_space<hbm>> -> memref<5056xf32, #tpu.memory_space<hbm>>
      tpu.enqueue_dma source(%dma_start3A_54 : memref<5056xf32, #tpu.memory_space<hbm>>) target(%arg6 : memref<5056xf32, #tpu.memory_space<vmem>>) target_semaphore(%run_scoped3A_49 : memref<!tpu.dma_semaphore, #tpu.memory_space<semaphore_mem>>)
      %dma_wait3A = arith.constant 0 : i32
      %dma_wait3A_55 = tpu.memref_slice %arg2[%select_n3A, %run_scoped3A_31, %dma_wait3A] : memref<8x4x5056xf32, #tpu.memory_space<hbm>> -> memref<1x1x5056xf32, #tpu.memory_space<hbm>>
      %dma_wait3A_56 = tpu.memref_squeeze %dma_wait3A_55 : memref<1x1x5056xf32, #tpu.memory_space<hbm>> -> memref<5056xf32, #tpu.memory_space<hbm>>
      %dma_wait3A_57 = arith.constant 0 : i32
      %dma_wait3A_58 = tpu.memref_slice %arg2[%select_n3A, %run_scoped3A_31, %dma_wait3A_57] : memref<8x4x5056xf32, #tpu.memory_space<hbm>> -> memref<1x1x5056xf32, #tpu.memory_space<hbm>>
      %dma_wait3A_59 = tpu.memref_squeeze %dma_wait3A_58 : memref<1x1x5056xf32, #tpu.memory_space<hbm>> -> memref<5056xf32, #tpu.memory_space<hbm>>
      tpu.wait_dma2 semaphore(%run_scoped3A_49 : memref<!tpu.dma_semaphore, #tpu.memory_space<semaphore_mem>>) src(%dma_wait3A_59 : memref<5056xf32, #tpu.memory_space<hbm>>) dst(%arg6 : memref<5056xf32, #tpu.memory_space<vmem>>)
      tpu.yield
    }) : () -> ()
    %run_scoped3A_32 = arith.constant 2 : i32
    "tpu.region"() ({
      %run_scoped3A_49 = tpu.sem_alloc : memref<!tpu.dma_semaphore, #tpu.memory_space<semaphore_mem>>
      %dma_start3A = arith.constant 0 : i32
      %dma_start3A_50 = tpu.memref_slice %arg2[%select_n3A, %run_scoped3A_32, %dma_start3A] : memref<8x4x5056xf32, #tpu.memory_space<hbm>> -> memref<1x1x5056xf32, #tpu.memory_space<hbm>>
      %dma_start3A_51 = tpu.memref_squeeze %dma_start3A_50 : memref<1x1x5056xf32, #tpu.memory_space<hbm>> -> memref<5056xf32, #tpu.memory_space<hbm>>
      %dma_start3A_52 = arith.constant 0 : i32
      %dma_start3A_53 = tpu.memref_slice %arg2[%select_n3A, %run_scoped3A_32, %dma_start3A_52] : memref<8x4x5056xf32, #tpu.memory_space<hbm>> -> memref<1x1x5056xf32, #tpu.memory_space<hbm>>
      %dma_start3A_54 = tpu.memref_squeeze %dma_start3A_53 : memref<1x1x5056xf32, #tpu.memory_space<hbm>> -> memref<5056xf32, #tpu.memory_space<hbm>>
      tpu.enqueue_dma source(%dma_start3A_54 : memref<5056xf32, #tpu.memory_space<hbm>>) target(%arg7 : memref<5056xf32, #tpu.memory_space<vmem>>) target_semaphore(%run_scoped3A_49 : memref<!tpu.dma_semaphore, #tpu.memory_space<semaphore_mem>>)
      %dma_wait3A = arith.constant 0 : i32
      %dma_wait3A_55 = tpu.memref_slice %arg2[%select_n3A, %run_scoped3A_32, %dma_wait3A] : memref<8x4x5056xf32, #tpu.memory_space<hbm>> -> memref<1x1x5056xf32, #tpu.memory_space<hbm>>
      %dma_wait3A_56 = tpu.memref_squeeze %dma_wait3A_55 : memref<1x1x5056xf32, #tpu.memory_space<hbm>> -> memref<5056xf32, #tpu.memory_space<hbm>>
      %dma_wait3A_57 = arith.constant 0 : i32
      %dma_wait3A_58 = tpu.memref_slice %arg2[%select_n3A, %run_scoped3A_32, %dma_wait3A_57] : memref<8x4x5056xf32, #tpu.memory_space<hbm>> -> memref<1x1x5056xf32, #tpu.memory_space<hbm>>
      %dma_wait3A_59 = tpu.memref_squeeze %dma_wait3A_58 : memref<1x1x5056xf32, #tpu.memory_space<hbm>> -> memref<5056xf32, #tpu.memory_space<hbm>>
      tpu.wait_dma2 semaphore(%run_scoped3A_49 : memref<!tpu.dma_semaphore, #tpu.memory_space<semaphore_mem>>) src(%dma_wait3A_59 : memref<5056xf32, #tpu.memory_space<hbm>>) dst(%arg7 : memref<5056xf32, #tpu.memory_space<vmem>>)
      tpu.yield
    }) : () -> ()
    %run_scoped3A_33 = arith.constant 3 : i32
    "tpu.region"() ({
      %run_scoped3A_49 = tpu.sem_alloc : memref<!tpu.dma_semaphore, #tpu.memory_space<semaphore_mem>>
      %dma_start3A = arith.constant 0 : i32
      %dma_start3A_50 = tpu.memref_slice %arg2[%select_n3A, %run_scoped3A_33, %dma_start3A] : memref<8x4x5056xf32, #tpu.memory_space<hbm>> -> memref<1x1x5056xf32, #tpu.memory_space<hbm>>
      %dma_start3A_51 = tpu.memref_squeeze %dma_start3A_50 : memref<1x1x5056xf32, #tpu.memory_space<hbm>> -> memref<5056xf32, #tpu.memory_space<hbm>>
      %dma_start3A_52 = arith.constant 0 : i32
      %dma_start3A_53 = tpu.memref_slice %arg2[%select_n3A, %run_scoped3A_33, %dma_start3A_52] : memref<8x4x5056xf32, #tpu.memory_space<hbm>> -> memref<1x1x5056xf32, #tpu.memory_space<hbm>>
      %dma_start3A_54 = tpu.memref_squeeze %dma_start3A_53 : memref<1x1x5056xf32, #tpu.memory_space<hbm>> -> memref<5056xf32, #tpu.memory_space<hbm>>
      tpu.enqueue_dma source(%dma_start3A_54 : memref<5056xf32, #tpu.memory_space<hbm>>) target(%arg8 : memref<5056xf32, #tpu.memory_space<vmem>>) target_semaphore(%run_scoped3A_49 : memref<!tpu.dma_semaphore, #tpu.memory_space<semaphore_mem>>)
      %dma_wait3A = arith.constant 0 : i32
      %dma_wait3A_55 = tpu.memref_slice %arg2[%select_n3A, %run_scoped3A_33, %dma_wait3A] : memref<8x4x5056xf32, #tpu.memory_space<hbm>> -> memref<1x1x5056xf32, #tpu.memory_space<hbm>>
      %dma_wait3A_56 = tpu.memref_squeeze %dma_wait3A_55 : memref<1x1x5056xf32, #tpu.memory_space<hbm>> -> memref<5056xf32, #tpu.memory_space<hbm>>
      %dma_wait3A_57 = arith.constant 0 : i32
      %dma_wait3A_58 = tpu.memref_slice %arg2[%select_n3A, %run_scoped3A_33, %dma_wait3A_57] : memref<8x4x5056xf32, #tpu.memory_space<hbm>> -> memref<1x1x5056xf32, #tpu.memory_space<hbm>>
      %dma_wait3A_59 = tpu.memref_squeeze %dma_wait3A_58 : memref<1x1x5056xf32, #tpu.memory_space<hbm>> -> memref<5056xf32, #tpu.memory_space<hbm>>
      tpu.wait_dma2 semaphore(%run_scoped3A_49 : memref<!tpu.dma_semaphore, #tpu.memory_space<semaphore_mem>>) src(%dma_wait3A_59 : memref<5056xf32, #tpu.memory_space<hbm>>) dst(%arg8 : memref<5056xf32, #tpu.memory_space<vmem>>)
      tpu.yield
    }) : () -> ()
    %run_scoped3A_34 = arith.constant 0 : i32
    "tpu.region"() ({
      %run_scoped3A_49 = tpu.sem_alloc : memref<!tpu.dma_semaphore, #tpu.memory_space<semaphore_mem>>
      %dma_start3A = arith.constant 0 : i32
      %dma_start3A_50 = tpu.memref_slice %arg3[%select_n3A, %run_scoped3A_34, %dma_start3A] : memref<8x4x104xf32, #tpu.memory_space<hbm>> -> memref<1x1x104xf32, #tpu.memory_space<hbm>>
      %dma_start3A_51 = tpu.memref_squeeze %dma_start3A_50 : memref<1x1x104xf32, #tpu.memory_space<hbm>> -> memref<104xf32, #tpu.memory_space<hbm>>
      %dma_start3A_52 = arith.constant 0 : i32
      %dma_start3A_53 = tpu.memref_slice %arg3[%select_n3A, %run_scoped3A_34, %dma_start3A_52] : memref<8x4x104xf32, #tpu.memory_space<hbm>> -> memref<1x1x104xf32, #tpu.memory_space<hbm>>
      %dma_start3A_54 = tpu.memref_squeeze %dma_start3A_53 : memref<1x1x104xf32, #tpu.memory_space<hbm>> -> memref<104xf32, #tpu.memory_space<hbm>>
      tpu.enqueue_dma source(%dma_start3A_54 : memref<104xf32, #tpu.memory_space<hbm>>) target(%arg10 : memref<104xf32, #tpu.memory_space<vmem>>) target_semaphore(%run_scoped3A_49 : memref<!tpu.dma_semaphore, #tpu.memory_space<semaphore_mem>>)
      %dma_wait3A = arith.constant 0 : i32
      %dma_wait3A_55 = tpu.memref_slice %arg3[%select_n3A, %run_scoped3A_34, %dma_wait3A] : memref<8x4x104xf32, #tpu.memory_space<hbm>> -> memref<1x1x104xf32, #tpu.memory_space<hbm>>
      %dma_wait3A_56 = tpu.memref_squeeze %dma_wait3A_55 : memref<1x1x104xf32, #tpu.memory_space<hbm>> -> memref<104xf32, #tpu.memory_space<hbm>>
      %dma_wait3A_57 = arith.constant 0 : i32
      %dma_wait3A_58 = tpu.memref_slice %arg3[%select_n3A, %run_scoped3A_34, %dma_wait3A_57] : memref<8x4x104xf32, #tpu.memory_space<hbm>> -> memref<1x1x104xf32, #tpu.memory_space<hbm>>
      %dma_wait3A_59 = tpu.memref_squeeze %dma_wait3A_58 : memref<1x1x104xf32, #tpu.memory_space<hbm>> -> memref<104xf32, #tpu.memory_space<hbm>>
      tpu.wait_dma2 semaphore(%run_scoped3A_49 : memref<!tpu.dma_semaphore, #tpu.memory_space<semaphore_mem>>) src(%dma_wait3A_59 : memref<104xf32, #tpu.memory_space<hbm>>) dst(%arg10 : memref<104xf32, #tpu.memory_space<vmem>>)
      tpu.yield
    }) : () -> ()
    %run_scoped3A_35 = arith.constant 1 : i32
    "tpu.region"() ({
      %run_scoped3A_49 = tpu.sem_alloc : memref<!tpu.dma_semaphore, #tpu.memory_space<semaphore_mem>>
      %dma_start3A = arith.constant 0 : i32
      %dma_start3A_50 = tpu.memref_slice %arg3[%select_n3A, %run_scoped3A_35, %dma_start3A] : memref<8x4x104xf32, #tpu.memory_space<hbm>> -> memref<1x1x104xf32, #tpu.memory_space<hbm>>
      %dma_start3A_51 = tpu.memref_squeeze %dma_start3A_50 : memref<1x1x104xf32, #tpu.memory_space<hbm>> -> memref<104xf32, #tpu.memory_space<hbm>>
      %dma_start3A_52 = arith.constant 0 : i32
      %dma_start3A_53 = tpu.memref_slice %arg3[%select_n3A, %run_scoped3A_35, %dma_start3A_52] : memref<8x4x104xf32, #tpu.memory_space<hbm>> -> memref<1x1x104xf32, #tpu.memory_space<hbm>>
      %dma_start3A_54 = tpu.memref_squeeze %dma_start3A_53 : memref<1x1x104xf32, #tpu.memory_space<hbm>> -> memref<104xf32, #tpu.memory_space<hbm>>
      tpu.enqueue_dma source(%dma_start3A_54 : memref<104xf32, #tpu.memory_space<hbm>>) target(%arg11 : memref<104xf32, #tpu.memory_space<vmem>>) target_semaphore(%run_scoped3A_49 : memref<!tpu.dma_semaphore, #tpu.memory_space<semaphore_mem>>)
      %dma_wait3A = arith.constant 0 : i32
      %dma_wait3A_55 = tpu.memref_slice %arg3[%select_n3A, %run_scoped3A_35, %dma_wait3A] : memref<8x4x104xf32, #tpu.memory_space<hbm>> -> memref<1x1x104xf32, #tpu.memory_space<hbm>>
      %dma_wait3A_56 = tpu.memref_squeeze %dma_wait3A_55 : memref<1x1x104xf32, #tpu.memory_space<hbm>> -> memref<104xf32, #tpu.memory_space<hbm>>
      %dma_wait3A_57 = arith.constant 0 : i32
      %dma_wait3A_58 = tpu.memref_slice %arg3[%select_n3A, %run_scoped3A_35, %dma_wait3A_57] : memref<8x4x104xf32, #tpu.memory_space<hbm>> -> memref<1x1x104xf32, #tpu.memory_space<hbm>>
      %dma_wait3A_59 = tpu.memref_squeeze %dma_wait3A_58 : memref<1x1x104xf32, #tpu.memory_space<hbm>> -> memref<104xf32, #tpu.memory_space<hbm>>
      tpu.wait_dma2 semaphore(%run_scoped3A_49 : memref<!tpu.dma_semaphore, #tpu.memory_space<semaphore_mem>>) src(%dma_wait3A_59 : memref<104xf32, #tpu.memory_space<hbm>>) dst(%arg11 : memref<104xf32, #tpu.memory_space<vmem>>)
      tpu.yield
    }) : () -> ()
    %run_scoped3A_36 = arith.constant 2 : i32
    "tpu.region"() ({
      %run_scoped3A_49 = tpu.sem_alloc : memref<!tpu.dma_semaphore, #tpu.memory_space<semaphore_mem>>
      %dma_start3A = arith.constant 0 : i32
      %dma_start3A_50 = tpu.memref_slice %arg3[%select_n3A, %run_scoped3A_36, %dma_start3A] : memref<8x4x104xf32, #tpu.memory_space<hbm>> -> memref<1x1x104xf32, #tpu.memory_space<hbm>>
      %dma_start3A_51 = tpu.memref_squeeze %dma_start3A_50 : memref<1x1x104xf32, #tpu.memory_space<hbm>> -> memref<104xf32, #tpu.memory_space<hbm>>
      %dma_start3A_52 = arith.constant 0 : i32
      %dma_start3A_53 = tpu.memref_slice %arg3[%select_n3A, %run_scoped3A_36, %dma_start3A_52] : memref<8x4x104xf32, #tpu.memory_space<hbm>> -> memref<1x1x104xf32, #tpu.memory_space<hbm>>
      %dma_start3A_54 = tpu.memref_squeeze %dma_start3A_53 : memref<1x1x104xf32, #tpu.memory_space<hbm>> -> memref<104xf32, #tpu.memory_space<hbm>>
      tpu.enqueue_dma source(%dma_start3A_54 : memref<104xf32, #tpu.memory_space<hbm>>) target(%arg12 : memref<104xf32, #tpu.memory_space<vmem>>) target_semaphore(%run_scoped3A_49 : memref<!tpu.dma_semaphore, #tpu.memory_space<semaphore_mem>>)
      %dma_wait3A = arith.constant 0 : i32
      %dma_wait3A_55 = tpu.memref_slice %arg3[%select_n3A, %run_scoped3A_36, %dma_wait3A] : memref<8x4x104xf32, #tpu.memory_space<hbm>> -> memref<1x1x104xf32, #tpu.memory_space<hbm>>
      %dma_wait3A_56 = tpu.memref_squeeze %dma_wait3A_55 : memref<1x1x104xf32, #tpu.memory_space<hbm>> -> memref<104xf32, #tpu.memory_space<hbm>>
      %dma_wait3A_57 = arith.constant 0 : i32
      %dma_wait3A_58 = tpu.memref_slice %arg3[%select_n3A, %run_scoped3A_36, %dma_wait3A_57] : memref<8x4x104xf32, #tpu.memory_space<hbm>> -> memref<1x1x104xf32, #tpu.memory_space<hbm>>
      %dma_wait3A_59 = tpu.memref_squeeze %dma_wait3A_58 : memref<1x1x104xf32, #tpu.memory_space<hbm>> -> memref<104xf32, #tpu.memory_space<hbm>>
      tpu.wait_dma2 semaphore(%run_scoped3A_49 : memref<!tpu.dma_semaphore, #tpu.memory_space<semaphore_mem>>) src(%dma_wait3A_59 : memref<104xf32, #tpu.memory_space<hbm>>) dst(%arg12 : memref<104xf32, #tpu.memory_space<vmem>>)
      tpu.yield
    }) : () -> ()
    %run_scoped3A_37 = arith.constant 3 : i32
    "tpu.region"() ({
      %run_scoped3A_49 = tpu.sem_alloc : memref<!tpu.dma_semaphore, #tpu.memory_space<semaphore_mem>>
      %dma_start3A = arith.constant 0 : i32
      %dma_start3A_50 = tpu.memref_slice %arg3[%select_n3A, %run_scoped3A_37, %dma_start3A] : memref<8x4x104xf32, #tpu.memory_space<hbm>> -> memref<1x1x104xf32, #tpu.memory_space<hbm>>
      %dma_start3A_51 = tpu.memref_squeeze %dma_start3A_50 : memref<1x1x104xf32, #tpu.memory_space<hbm>> -> memref<104xf32, #tpu.memory_space<hbm>>
      %dma_start3A_52 = arith.constant 0 : i32
      %dma_start3A_53 = tpu.memref_slice %arg3[%select_n3A, %run_scoped3A_37, %dma_start3A_52] : memref<8x4x104xf32, #tpu.memory_space<hbm>> -> memref<1x1x104xf32, #tpu.memory_space<hbm>>
      %dma_start3A_54 = tpu.memref_squeeze %dma_start3A_53 : memref<1x1x104xf32, #tpu.memory_space<hbm>> -> memref<104xf32, #tpu.memory_space<hbm>>
      tpu.enqueue_dma source(%dma_start3A_54 : memref<104xf32, #tpu.memory_space<hbm>>) target(%arg13 : memref<104xf32, #tpu.memory_space<vmem>>) target_semaphore(%run_scoped3A_49 : memref<!tpu.dma_semaphore, #tpu.memory_space<semaphore_mem>>)
      %dma_wait3A = arith.constant 0 : i32
      %dma_wait3A_55 = tpu.memref_slice %arg3[%select_n3A, %run_scoped3A_37, %dma_wait3A] : memref<8x4x104xf32, #tpu.memory_space<hbm>> -> memref<1x1x104xf32, #tpu.memory_space<hbm>>
      %dma_wait3A_56 = tpu.memref_squeeze %dma_wait3A_55 : memref<1x1x104xf32, #tpu.memory_space<hbm>> -> memref<104xf32, #tpu.memory_space<hbm>>
      %dma_wait3A_57 = arith.constant 0 : i32
      %dma_wait3A_58 = tpu.memref_slice %arg3[%select_n3A, %run_scoped3A_37, %dma_wait3A_57] : memref<8x4x104xf32, #tpu.memory_space<hbm>> -> memref<1x1x104xf32, #tpu.memory_space<hbm>>
      %dma_wait3A_59 = tpu.memref_squeeze %dma_wait3A_58 : memref<1x1x104xf32, #tpu.memory_space<hbm>> -> memref<104xf32, #tpu.memory_space<hbm>>
      tpu.wait_dma2 semaphore(%run_scoped3A_49 : memref<!tpu.dma_semaphore, #tpu.memory_space<semaphore_mem>>) src(%dma_wait3A_59 : memref<104xf32, #tpu.memory_space<hbm>>) dst(%arg13 : memref<104xf32, #tpu.memory_space<vmem>>)
      tpu.yield
    }) : () -> ()
    %iota3A = tpu.iota {dimensions = array<i32: 0>} : vector<16xi32>
    %scan3A = arith.constant 0 : i32
    %scan3A_38 = arith.constant 0 : i32
    %scan3A_39 = arith.constant 316 : i32
    %scan3A_40 = arith.addi %scan3A_38, %scan3A_39 : i32
    %scan3A_41 = arith.constant 1 : i32
    scf.for %scan3A_49 = %scan3A_38 to %scan3A_40 step %scan3A_41  : i32 {
      %mul3A_50 = arith.constant 16 : i32
      %mul3A_51 = arith.muli %scan3A_49, %mul3A_50 : i32
      %get3A = arith.index_cast %mul3A_51 : i32 to index
      %get3A_52 = tpu.vector_load %arg7[%get3A] {strides = array<i32>} : memref<5056xf32, #tpu.memory_space<vmem>>, vector<16xf32>,
      %get3A_53 = arith.index_cast %mul3A_51 : i32 to index
      %get3A_54 = tpu.vector_load %arg5[%get3A_53] {strides = array<i32>} : memref<5056xf32, #tpu.memory_space<vmem>>, vector<16xf32>,
      %sub3A_55 = arith.subf %get3A_52, %get3A_54 : vector<16xf32>
      %get3A_56 = arith.index_cast %mul3A_51 : i32 to index
      %get3A_57 = tpu.vector_load %arg8[%get3A_56] {strides = array<i32>} : memref<5056xf32, #tpu.memory_space<vmem>>, vector<16xf32>,
      %get3A_58 = arith.index_cast %mul3A_51 : i32 to index
      %get3A_59 = tpu.vector_load %arg6[%get3A_58] {strides = array<i32>} : memref<5056xf32, #tpu.memory_space<vmem>>, vector<16xf32>,
      %sub3A_60 = arith.subf %get3A_57, %get3A_59 : vector<16xf32>
      %mul3A_61 = arith.mulf %sub3A_55, %sub3A_60 : vector<16xf32>
      %swap3A = arith.index_cast %mul3A_51 : i32 to index
      %swap3A_62 = tpu.vector_load %arg9[%swap3A] {strides = array<i32>} : memref<5056xf32, #tpu.memory_space<vmem>>, vector<16xf32>,
      tpu.vector_store %arg9[%swap3A], %mul3A_61 {strides = array<i32>} : memref<5056xf32, #tpu.memory_space<vmem>>, vector<16xf32>,
    }
    %scan3A_42 = arith.constant 316 : i32
    %scan3A_43 = arith.constant 0 : i32
    %scan3A_44 = arith.constant 0 : i32
    %scan3A_45 = arith.constant 5 : i32
    %scan3A_46 = arith.addi %scan3A_44, %scan3A_45 : i32
    %scan3A_47 = arith.constant 1 : i32
    scf.for %scan3A_49 = %scan3A_44 to %scan3A_46 step %scan3A_47  : i32 {
      %mul3A_50 = arith.constant 5 : i32
      %mul3A_51 = arith.muli %select_n3A_30, %mul3A_50 : i32
      %add3A_52 = arith.constant 80 : i32
      %add3A_53 = arith.addi %add3A_52, %mul3A_51 : i32
      %add3A_54 = arith.addi %add3A_53, %scan3A_49 : i32
      %broadcast_in_dim3A = vector.broadcast %add3A_54 : i32 to vector<16xi32>
      %gather3A = tpu.vector_load_idx %arg10[%broadcast_in_dim3A] : memref<104xf32, #tpu.memory_space<vmem>>[vector<16xi32>], vector<16xf32>,
      %gather3A_55 = tpu.vector_load_idx %arg11[%broadcast_in_dim3A] : memref<104xf32, #tpu.memory_space<vmem>>[vector<16xi32>], vector<16xf32>,
      %gather3A_56 = tpu.vector_load_idx %arg12[%broadcast_in_dim3A] : memref<104xf32, #tpu.memory_space<vmem>>[vector<16xi32>], vector<16xf32>,
      %gather3A_57 = tpu.vector_load_idx %arg13[%broadcast_in_dim3A] : memref<104xf32, #tpu.memory_space<vmem>>[vector<16xi32>], vector<16xf32>,
      %sub3A_58 = arith.subf %gather3A_56, %gather3A : vector<16xf32>
      %sub3A_59 = arith.subf %gather3A_57, %gather3A_55 : vector<16xf32>
      %mul3A_60 = arith.mulf %sub3A_58, %sub3A_59 : vector<16xf32>
      %broadcast_in_dim3A_61 = arith.constant 0x7F800000 : f32
      %broadcast_in_dim3A_62 = vector.broadcast %broadcast_in_dim3A_61 : f32 to vector<16xf32>
      %scan3A_63 = arith.constant 0 : i32
      %scan3A_64 = arith.constant 79 : i32
      %scan3A_65 = arith.addi %scan3A_63, %scan3A_64 : i32
      %scan3A_66 = arith.constant 1 : i32
      %scan3A_67 = scf.for %scan3A_136 = %scan3A_63 to %scan3A_65 step %scan3A_66 iter_args(%scan3A_137 = %broadcast_in_dim3A_62) -> (vector<16xf32>)  : i32 {
        %mul3A_138 = arith.constant 64 : i32
        %mul3A_139 = arith.muli %scan3A_136, %mul3A_138 : i32
        %get3A = arith.index_cast %mul3A_139 : i32 to index
        %get3A_140 = tpu.vector_load %arg5[%get3A] {strides = array<i32>} : memref<5056xf32, #tpu.memory_space<vmem>>, vector<16xf32>,
        %get3A_141 = arith.index_cast %mul3A_139 : i32 to index
        %get3A_142 = tpu.vector_load %arg6[%get3A_141] {strides = array<i32>} : memref<5056xf32, #tpu.memory_space<vmem>>, vector<16xf32>,
        %get3A_143 = arith.index_cast %mul3A_139 : i32 to index
        %get3A_144 = tpu.vector_load %arg7[%get3A_143] {strides = array<i32>} : memref<5056xf32, #tpu.memory_space<vmem>>, vector<16xf32>,
        %get3A_145 = arith.index_cast %mul3A_139 : i32 to index
        %get3A_146 = tpu.vector_load %arg8[%get3A_145] {strides = array<i32>} : memref<5056xf32, #tpu.memory_space<vmem>>, vector<16xf32>,
        %get3A_147 = arith.index_cast %mul3A_139 : i32 to index
        %get3A_148 = tpu.vector_load %arg9[%get3A_147] {strides = array<i32>} : memref<5056xf32, #tpu.memory_space<vmem>>, vector<16xf32>,
        %sub3A_149 = arith.subf %get3A_140, %gather3A : vector<16xf32>
        %abs3A = math.absf %sub3A_149 : vector<16xf32>
        %sub3A_150 = arith.subf %get3A_142, %gather3A_55 : vector<16xf32>
        %abs3A_151 = math.absf %sub3A_150 : vector<16xf32>
        %add3A_152 = arith.addf %abs3A, %abs3A_151 : vector<16xf32>
        %sub3A_153 = arith.subf %get3A_144, %gather3A_56 : vector<16xf32>
        %abs3A_154 = math.absf %sub3A_153 : vector<16xf32>
        %add3A_155 = arith.addf %add3A_152, %abs3A_154 : vector<16xf32>
        %sub3A_156 = arith.subf %get3A_146, %gather3A_57 : vector<16xf32>
        %abs3A_157 = math.absf %sub3A_156 : vector<16xf32>
        %add3A_158 = arith.addf %add3A_155, %abs3A_157 : vector<16xf32>
        %max3A = arith.maximumf %get3A_140, %gather3A : vector<16xf32>
        %max3A_159 = arith.maximumf %get3A_142, %gather3A_55 : vector<16xf32>
        %min3A = arith.minimumf %get3A_144, %gather3A_56 : vector<16xf32>
        %min3A_160 = arith.minimumf %get3A_146, %gather3A_57 : vector<16xf32>
        %sub3A_161 = arith.subf %min3A, %max3A : vector<16xf32>
        %max3A_162 = arith.constant 0.000000e+00 : f32
        %max3A_163 = vector.broadcast %max3A_162 : f32 to vector<16xf32>
        %max3A_164 = arith.maximumf %sub3A_161, %max3A_163 : vector<16xf32>
        %sub3A_165 = arith.subf %min3A_160, %max3A_159 : vector<16xf32>
        %max3A_166 = arith.constant 0.000000e+00 : f32
        %max3A_167 = vector.broadcast %max3A_166 : f32 to vector<16xf32>
        %max3A_168 = arith.maximumf %sub3A_165, %max3A_167 : vector<16xf32>
        %mul3A_169 = arith.mulf %max3A_164, %max3A_168 : vector<16xf32>
        %add3A_170 = arith.addf %get3A_148, %mul3A_60 : vector<16xf32>
        %sub3A_171 = arith.subf %add3A_170, %mul3A_169 : vector<16xf32>
        %div3A_172 = arith.divf %mul3A_169, %sub3A_171 : vector<16xf32>
        %max3A_173 = arith.maximumf %get3A_144, %gather3A_56 : vector<16xf32>
        %min3A_174 = arith.minimumf %get3A_140, %gather3A : vector<16xf32>
        %sub3A_175 = arith.subf %max3A_173, %min3A_174 : vector<16xf32>
        %max3A_176 = arith.maximumf %get3A_146, %gather3A_57 : vector<16xf32>
        %min3A_177 = arith.minimumf %get3A_142, %gather3A_55 : vector<16xf32>
        %sub3A_178 = arith.subf %max3A_176, %min3A_177 : vector<16xf32>
        %mul3A_179 = arith.mulf %sub3A_175, %sub3A_178 : vector<16xf32>
        %sub3A_180 = arith.subf %mul3A_179, %sub3A_171 : vector<16xf32>
        %div3A_181 = arith.divf %sub3A_180, %mul3A_179 : vector<16xf32>
        %sub3A_182 = arith.subf %div3A_172, %div3A_181 : vector<16xf32>
        %mul3A_183 = arith.constant 1.000000e+00 : f32
        %mul3A_184 = vector.broadcast %mul3A_183 : f32 to vector<16xf32>
        %mul3A_185 = arith.mulf %mul3A_184, %add3A_158 : vector<16xf32>
        %sub3A_186 = arith.constant 1.000000e+00 : f32
        %sub3A_187 = vector.broadcast %sub3A_186 : f32 to vector<16xf32>
        %sub3A_188 = arith.subf %sub3A_187, %sub3A_182 : vector<16xf32>
        %mul3A_189 = arith.constant 1.000000e+00 : f32
        %mul3A_190 = vector.broadcast %mul3A_189 : f32 to vector<16xf32>
        %mul3A_191 = arith.mulf %mul3A_190, %sub3A_188 : vector<16xf32>
        %add3A_192 = arith.addf %mul3A_185, %mul3A_191 : vector<16xf32>
        %add3A_193 = arith.constant 16 : i32
        %add3A_194 = arith.addi %mul3A_139, %add3A_193 : i32
        %get3A_195 = arith.index_cast %add3A_194 : i32 to index
        %get3A_196 = tpu.vector_load %arg5[%get3A_195] {strides = array<i32>} : memref<5056xf32, #tpu.memory_space<vmem>>, vector<16xf32>,
        %get3A_197 = arith.index_cast %add3A_194 : i32 to index
        %get3A_198 = tpu.vector_load %arg6[%get3A_197] {strides = array<i32>} : memref<5056xf32, #tpu.memory_space<vmem>>, vector<16xf32>,
        %get3A_199 = arith.index_cast %add3A_194 : i32 to index
        %get3A_200 = tpu.vector_load %arg7[%get3A_199] {strides = array<i32>} : memref<5056xf32, #tpu.memory_space<vmem>>, vector<16xf32>,
        %get3A_201 = arith.index_cast %add3A_194 : i32 to index
        %get3A_202 = tpu.vector_load %arg8[%get3A_201] {strides = array<i32>} : memref<5056xf32, #tpu.memory_space<vmem>>, vector<16xf32>,
        %get3A_203 = arith.index_cast %add3A_194 : i32 to index
        %get3A_204 = tpu.vector_load %arg9[%get3A_203] {strides = array<i32>} : memref<5056xf32, #tpu.memory_space<vmem>>, vector<16xf32>,
        %sub3A_205 = arith.subf %get3A_196, %gather3A : vector<16xf32>
        %abs3A_206 = math.absf %sub3A_205 : vector<16xf32>
        %sub3A_207 = arith.subf %get3A_198, %gather3A_55 : vector<16xf32>
        %abs3A_208 = math.absf %sub3A_207 : vector<16xf32>
        %add3A_209 = arith.addf %abs3A_206, %abs3A_208 : vector<16xf32>
        %sub3A_210 = arith.subf %get3A_200, %gather3A_56 : vector<16xf32>
        %abs3A_211 = math.absf %sub3A_210 : vector<16xf32>
        %add3A_212 = arith.addf %add3A_209, %abs3A_211 : vector<16xf32>
        %sub3A_213 = arith.subf %get3A_202, %gather3A_57 : vector<16xf32>
        %abs3A_214 = math.absf %sub3A_213 : vector<16xf32>
        %add3A_215 = arith.addf %add3A_212, %abs3A_214 : vector<16xf32>
        %max3A_216 = arith.maximumf %get3A_196, %gather3A : vector<16xf32>
        %max3A_217 = arith.maximumf %get3A_198, %gather3A_55 : vector<16xf32>
        %min3A_218 = arith.minimumf %get3A_200, %gather3A_56 : vector<16xf32>
        %min3A_219 = arith.minimumf %get3A_202, %gather3A_57 : vector<16xf32>
        %sub3A_220 = arith.subf %min3A_218, %max3A_216 : vector<16xf32>
        %max3A_221 = arith.constant 0.000000e+00 : f32
        %max3A_222 = vector.broadcast %max3A_221 : f32 to vector<16xf32>
        %max3A_223 = arith.maximumf %sub3A_220, %max3A_222 : vector<16xf32>
        %sub3A_224 = arith.subf %min3A_219, %max3A_217 : vector<16xf32>
        %max3A_225 = arith.constant 0.000000e+00 : f32
        %max3A_226 = vector.broadcast %max3A_225 : f32 to vector<16xf32>
        %max3A_227 = arith.maximumf %sub3A_224, %max3A_226 : vector<16xf32>
        %mul3A_228 = arith.mulf %max3A_223, %max3A_227 : vector<16xf32>
        %add3A_229 = arith.addf %get3A_204, %mul3A_60 : vector<16xf32>
        %sub3A_230 = arith.subf %add3A_229, %mul3A_228 : vector<16xf32>
        %div3A_231 = arith.divf %mul3A_228, %sub3A_230 : vector<16xf32>
        %max3A_232 = arith.maximumf %get3A_200, %gather3A_56 : vector<16xf32>
        %min3A_233 = arith.minimumf %get3A_196, %gather3A : vector<16xf32>
        %sub3A_234 = arith.subf %max3A_232, %min3A_233 : vector<16xf32>
        %max3A_235 = arith.maximumf %get3A_202, %gather3A_57 : vector<16xf32>
        %min3A_236 = arith.minimumf %get3A_198, %gather3A_55 : vector<16xf32>
        %sub3A_237 = arith.subf %max3A_235, %min3A_236 : vector<16xf32>
        %mul3A_238 = arith.mulf %sub3A_234, %sub3A_237 : vector<16xf32>
        %sub3A_239 = arith.subf %mul3A_238, %sub3A_230 : vector<16xf32>
        %div3A_240 = arith.divf %sub3A_239, %mul3A_238 : vector<16xf32>
        %sub3A_241 = arith.subf %div3A_231, %div3A_240 : vector<16xf32>
        %mul3A_242 = arith.constant 1.000000e+00 : f32
        %mul3A_243 = vector.broadcast %mul3A_242 : f32 to vector<16xf32>
        %mul3A_244 = arith.mulf %mul3A_243, %add3A_215 : vector<16xf32>
        %sub3A_245 = arith.constant 1.000000e+00 : f32
        %sub3A_246 = vector.broadcast %sub3A_245 : f32 to vector<16xf32>
        %sub3A_247 = arith.subf %sub3A_246, %sub3A_241 : vector<16xf32>
        %mul3A_248 = arith.constant 1.000000e+00 : f32
        %mul3A_249 = vector.broadcast %mul3A_248 : f32 to vector<16xf32>
        %mul3A_250 = arith.mulf %mul3A_249, %sub3A_247 : vector<16xf32>
        %add3A_251 = arith.addf %mul3A_244, %mul3A_250 : vector<16xf32>
        %add3A_252 = arith.constant 32 : i32
        %add3A_253 = arith.addi %mul3A_139, %add3A_252 : i32
        %get3A_254 = arith.index_cast %add3A_253 : i32 to index
        %get3A_255 = tpu.vector_load %arg5[%get3A_254] {strides = array<i32>} : memref<5056xf32, #tpu.memory_space<vmem>>, vector<16xf32>,
        %get3A_256 = arith.index_cast %add3A_253 : i32 to index
        %get3A_257 = tpu.vector_load %arg6[%get3A_256] {strides = array<i32>} : memref<5056xf32, #tpu.memory_space<vmem>>, vector<16xf32>,
        %get3A_258 = arith.index_cast %add3A_253 : i32 to index
        %get3A_259 = tpu.vector_load %arg7[%get3A_258] {strides = array<i32>} : memref<5056xf32, #tpu.memory_space<vmem>>, vector<16xf32>,
        %get3A_260 = arith.index_cast %add3A_253 : i32 to index
        %get3A_261 = tpu.vector_load %arg8[%get3A_260] {strides = array<i32>} : memref<5056xf32, #tpu.memory_space<vmem>>, vector<16xf32>,
        %get3A_262 = arith.index_cast %add3A_253 : i32 to index
        %get3A_263 = tpu.vector_load %arg9[%get3A_262] {strides = array<i32>} : memref<5056xf32, #tpu.memory_space<vmem>>, vector<16xf32>,
        %sub3A_264 = arith.subf %get3A_255, %gather3A : vector<16xf32>
        %abs3A_265 = math.absf %sub3A_264 : vector<16xf32>
        %sub3A_266 = arith.subf %get3A_257, %gather3A_55 : vector<16xf32>
        %abs3A_267 = math.absf %sub3A_266 : vector<16xf32>
        %add3A_268 = arith.addf %abs3A_265, %abs3A_267 : vector<16xf32>
        %sub3A_269 = arith.subf %get3A_259, %gather3A_56 : vector<16xf32>
        %abs3A_270 = math.absf %sub3A_269 : vector<16xf32>
        %add3A_271 = arith.addf %add3A_268, %abs3A_270 : vector<16xf32>
        %sub3A_272 = arith.subf %get3A_261, %gather3A_57 : vector<16xf32>
        %abs3A_273 = math.absf %sub3A_272 : vector<16xf32>
        %add3A_274 = arith.addf %add3A_271, %abs3A_273 : vector<16xf32>
        %max3A_275 = arith.maximumf %get3A_255, %gather3A : vector<16xf32>
        %max3A_276 = arith.maximumf %get3A_257, %gather3A_55 : vector<16xf32>
        %min3A_277 = arith.minimumf %get3A_259, %gather3A_56 : vector<16xf32>
        %min3A_278 = arith.minimumf %get3A_261, %gather3A_57 : vector<16xf32>
        %sub3A_279 = arith.subf %min3A_277, %max3A_275 : vector<16xf32>
        %max3A_280 = arith.constant 0.000000e+00 : f32
        %max3A_281 = vector.broadcast %max3A_280 : f32 to vector<16xf32>
        %max3A_282 = arith.maximumf %sub3A_279, %max3A_281 : vector<16xf32>
        %sub3A_283 = arith.subf %min3A_278, %max3A_276 : vector<16xf32>
        %max3A_284 = arith.constant 0.000000e+00 : f32
        %max3A_285 = vector.broadcast %max3A_284 : f32 to vector<16xf32>
        %max3A_286 = arith.maximumf %sub3A_283, %max3A_285 : vector<16xf32>
        %mul3A_287 = arith.mulf %max3A_282, %max3A_286 : vector<16xf32>
        %add3A_288 = arith.addf %get3A_263, %mul3A_60 : vector<16xf32>
        %sub3A_289 = arith.subf %add3A_288, %mul3A_287 : vector<16xf32>
        %div3A_290 = arith.divf %mul3A_287, %sub3A_289 : vector<16xf32>
        %max3A_291 = arith.maximumf %get3A_259, %gather3A_56 : vector<16xf32>
        %min3A_292 = arith.minimumf %get3A_255, %gather3A : vector<16xf32>
        %sub3A_293 = arith.subf %max3A_291, %min3A_292 : vector<16xf32>
        %max3A_294 = arith.maximumf %get3A_261, %gather3A_57 : vector<16xf32>
        %min3A_295 = arith.minimumf %get3A_257, %gather3A_55 : vector<16xf32>
        %sub3A_296 = arith.subf %max3A_294, %min3A_295 : vector<16xf32>
        %mul3A_297 = arith.mulf %sub3A_293, %sub3A_296 : vector<16xf32>
        %sub3A_298 = arith.subf %mul3A_297, %sub3A_289 : vector<16xf32>
        %div3A_299 = arith.divf %sub3A_298, %mul3A_297 : vector<16xf32>
        %sub3A_300 = arith.subf %div3A_290, %div3A_299 : vector<16xf32>
        %mul3A_301 = arith.constant 1.000000e+00 : f32
        %mul3A_302 = vector.broadcast %mul3A_301 : f32 to vector<16xf32>
        %mul3A_303 = arith.mulf %mul3A_302, %add3A_274 : vector<16xf32>
        %sub3A_304 = arith.constant 1.000000e+00 : f32
        %sub3A_305 = vector.broadcast %sub3A_304 : f32 to vector<16xf32>
        %sub3A_306 = arith.subf %sub3A_305, %sub3A_300 : vector<16xf32>
        %mul3A_307 = arith.constant 1.000000e+00 : f32
        %mul3A_308 = vector.broadcast %mul3A_307 : f32 to vector<16xf32>
        %mul3A_309 = arith.mulf %mul3A_308, %sub3A_306 : vector<16xf32>
        %add3A_310 = arith.addf %mul3A_303, %mul3A_309 : vector<16xf32>
        %add3A_311 = arith.constant 48 : i32
        %add3A_312 = arith.addi %mul3A_139, %add3A_311 : i32
        %get3A_313 = arith.index_cast %add3A_312 : i32 to index
        %get3A_314 = tpu.vector_load %arg5[%get3A_313] {strides = array<i32>} : memref<5056xf32, #tpu.memory_space<vmem>>, vector<16xf32>,
        %get3A_315 = arith.index_cast %add3A_312 : i32 to index
        %get3A_316 = tpu.vector_load %arg6[%get3A_315] {strides = array<i32>} : memref<5056xf32, #tpu.memory_space<vmem>>, vector<16xf32>,
        %get3A_317 = arith.index_cast %add3A_312 : i32 to index
        %get3A_318 = tpu.vector_load %arg7[%get3A_317] {strides = array<i32>} : memref<5056xf32, #tpu.memory_space<vmem>>, vector<16xf32>,
        %get3A_319 = arith.index_cast %add3A_312 : i32 to index
        %get3A_320 = tpu.vector_load %arg8[%get3A_319] {strides = array<i32>} : memref<5056xf32, #tpu.memory_space<vmem>>, vector<16xf32>,
        %get3A_321 = arith.index_cast %add3A_312 : i32 to index
        %get3A_322 = tpu.vector_load %arg9[%get3A_321] {strides = array<i32>} : memref<5056xf32, #tpu.memory_space<vmem>>, vector<16xf32>,
        %sub3A_323 = arith.subf %get3A_314, %gather3A : vector<16xf32>
        %abs3A_324 = math.absf %sub3A_323 : vector<16xf32>
        %sub3A_325 = arith.subf %get3A_316, %gather3A_55 : vector<16xf32>
        %abs3A_326 = math.absf %sub3A_325 : vector<16xf32>
        %add3A_327 = arith.addf %abs3A_324, %abs3A_326 : vector<16xf32>
        %sub3A_328 = arith.subf %get3A_318, %gather3A_56 : vector<16xf32>
        %abs3A_329 = math.absf %sub3A_328 : vector<16xf32>
        %add3A_330 = arith.addf %add3A_327, %abs3A_329 : vector<16xf32>
        %sub3A_331 = arith.subf %get3A_320, %gather3A_57 : vector<16xf32>
        %abs3A_332 = math.absf %sub3A_331 : vector<16xf32>
        %add3A_333 = arith.addf %add3A_330, %abs3A_332 : vector<16xf32>
        %max3A_334 = arith.maximumf %get3A_314, %gather3A : vector<16xf32>
        %max3A_335 = arith.maximumf %get3A_316, %gather3A_55 : vector<16xf32>
        %min3A_336 = arith.minimumf %get3A_318, %gather3A_56 : vector<16xf32>
        %min3A_337 = arith.minimumf %get3A_320, %gather3A_57 : vector<16xf32>
        %sub3A_338 = arith.subf %min3A_336, %max3A_334 : vector<16xf32>
        %max3A_339 = arith.constant 0.000000e+00 : f32
        %max3A_340 = vector.broadcast %max3A_339 : f32 to vector<16xf32>
        %max3A_341 = arith.maximumf %sub3A_338, %max3A_340 : vector<16xf32>
        %sub3A_342 = arith.subf %min3A_337, %max3A_335 : vector<16xf32>
        %max3A_343 = arith.constant 0.000000e+00 : f32
        %max3A_344 = vector.broadcast %max3A_343 : f32 to vector<16xf32>
        %max3A_345 = arith.maximumf %sub3A_342, %max3A_344 : vector<16xf32>
        %mul3A_346 = arith.mulf %max3A_341, %max3A_345 : vector<16xf32>
        %add3A_347 = arith.addf %get3A_322, %mul3A_60 : vector<16xf32>
        %sub3A_348 = arith.subf %add3A_347, %mul3A_346 : vector<16xf32>
        %div3A_349 = arith.divf %mul3A_346, %sub3A_348 : vector<16xf32>
        %max3A_350 = arith.maximumf %get3A_318, %gather3A_56 : vector<16xf32>
        %min3A_351 = arith.minimumf %get3A_314, %gather3A : vector<16xf32>
        %sub3A_352 = arith.subf %max3A_350, %min3A_351 : vector<16xf32>
        %max3A_353 = arith.maximumf %get3A_320, %gather3A_57 : vector<16xf32>
        %min3A_354 = arith.minimumf %get3A_316, %gather3A_55 : vector<16xf32>
        %sub3A_355 = arith.subf %max3A_353, %min3A_354 : vector<16xf32>
        %mul3A_356 = arith.mulf %sub3A_352, %sub3A_355 : vector<16xf32>
        %sub3A_357 = arith.subf %mul3A_356, %sub3A_348 : vector<16xf32>
        %div3A_358 = arith.divf %sub3A_357, %mul3A_356 : vector<16xf32>
        %sub3A_359 = arith.subf %div3A_349, %div3A_358 : vector<16xf32>
        %mul3A_360 = arith.constant 1.000000e+00 : f32
        %mul3A_361 = vector.broadcast %mul3A_360 : f32 to vector<16xf32>
        %mul3A_362 = arith.mulf %mul3A_361, %add3A_333 : vector<16xf32>
        %sub3A_363 = arith.constant 1.000000e+00 : f32
        %sub3A_364 = vector.broadcast %sub3A_363 : f32 to vector<16xf32>
        %sub3A_365 = arith.subf %sub3A_364, %sub3A_359 : vector<16xf32>
        %mul3A_366 = arith.constant 1.000000e+00 : f32
        %mul3A_367 = vector.broadcast %mul3A_366 : f32 to vector<16xf32>
        %mul3A_368 = arith.mulf %mul3A_367, %sub3A_365 : vector<16xf32>
        %add3A_369 = arith.addf %mul3A_362, %mul3A_368 : vector<16xf32>
        %swap3A_370 = arith.index_cast %mul3A_139 : i32 to index
        %swap3A_371 = tpu.vector_load %arg14[%swap3A_370] {strides = array<i32>} : memref<5056xf32, #tpu.memory_space<vmem>>, vector<16xf32>,
        tpu.vector_store %arg14[%swap3A_370], %add3A_192 {strides = array<i32>} : memref<5056xf32, #tpu.memory_space<vmem>>, vector<16xf32>,
        %add3A_372 = arith.constant 16 : i32
        %add3A_373 = arith.addi %mul3A_139, %add3A_372 : i32
        %swap3A_374 = arith.index_cast %add3A_373 : i32 to index
        %swap3A_375 = tpu.vector_load %arg14[%swap3A_374] {strides = array<i32>} : memref<5056xf32, #tpu.memory_space<vmem>>, vector<16xf32>,
        tpu.vector_store %arg14[%swap3A_374], %add3A_251 {strides = array<i32>} : memref<5056xf32, #tpu.memory_space<vmem>>, vector<16xf32>,
        %add3A_376 = arith.constant 32 : i32
        %add3A_377 = arith.addi %mul3A_139, %add3A_376 : i32
        %swap3A_378 = arith.index_cast %add3A_377 : i32 to index
        %swap3A_379 = tpu.vector_load %arg14[%swap3A_378] {strides = array<i32>} : memref<5056xf32, #tpu.memory_space<vmem>>, vector<16xf32>,
        tpu.vector_store %arg14[%swap3A_378], %add3A_310 {strides = array<i32>} : memref<5056xf32, #tpu.memory_space<vmem>>, vector<16xf32>,
        %add3A_380 = arith.constant 48 : i32
        %add3A_381 = arith.addi %mul3A_139, %add3A_380 : i32
        %swap3A_382 = arith.index_cast %add3A_381 : i32 to index
        %swap3A_383 = tpu.vector_load %arg14[%swap3A_382] {strides = array<i32>} : memref<5056xf32, #tpu.memory_space<vmem>>, vector<16xf32>,
        tpu.vector_store %arg14[%swap3A_382], %add3A_369 {strides = array<i32>} : memref<5056xf32, #tpu.memory_space<vmem>>, vector<16xf32>,
        %min3A_384 = arith.minimumf %add3A_192, %add3A_251 : vector<16xf32>
        %min3A_385 = arith.minimumf %add3A_310, %add3A_369 : vector<16xf32>
        %min3A_386 = arith.minimumf %min3A_384, %min3A_385 : vector<16xf32>
        %min3A_387 = arith.minimumf %scan3A_137, %min3A_386 : vector<16xf32>
        scf.yield %min3A_387 : vector<16xf32>
      }
      %scan3A_68 = arith.constant 79 : i32
      %masked_sort3A = arith.constant dense<true> : vector<16xi1>
      %masked_sort3A_69, %masked_sort3A_70, %masked_sort3A_71 = tpu.sort %scan3A_67, %iota3A masked %masked_sort3A : (vector<16xf32>, vector<16xi32>, vector<16xi1>) -> (vector<16xi1>, vector<16xf32>, vector<16xi32>)
      %swap3A = arith.constant 0 : index
      %swap3A_72 = tpu.vector_load %arg16[%swap3A] {strides = array<i32>} : memref<32xf32, #tpu.memory_space<vmem>>, vector<16xf32>,
      tpu.vector_store %arg16[%swap3A], %masked_sort3A_70 {strides = array<i32>} : memref<32xf32, #tpu.memory_space<vmem>>, vector<16xf32>,
      %broadcast_in_dim3A_73 = arith.constant 4 : i32
      %broadcast_in_dim3A_74 = vector.broadcast %broadcast_in_dim3A_73 : i32 to vector<16xi32>
      %gather3A_75 = tpu.vector_load_idx %arg16[%broadcast_in_dim3A_74] : memref<32xf32, #tpu.memory_space<vmem>>[vector<16xi32>], vector<16xf32>,
      %broadcast_in_dim3A_76 = arith.constant 0 : i32
      %broadcast_in_dim3A_77 = vector.broadcast %broadcast_in_dim3A_76 : i32 to vector<16xi32>
      %scan3A_78 = arith.constant 0 : i32
      %scan3A_79 = arith.constant 79 : i32
      %scan3A_80 = arith.addi %scan3A_78, %scan3A_79 : i32
      %scan3A_81 = arith.constant 1 : i32
      %scan3A_82 = scf.for %scan3A_136 = %scan3A_78 to %scan3A_80 step %scan3A_81 iter_args(%scan3A_137 = %broadcast_in_dim3A_77) -> (vector<16xi32>)  : i32 {
        %mul3A_138 = arith.constant 64 : i32
        %mul3A_139 = arith.muli %scan3A_136, %mul3A_138 : i32
        %get3A = arith.index_cast %mul3A_139 : i32 to index
        %get3A_140 = tpu.vector_load %arg14[%get3A] {strides = array<i32>} : memref<5056xf32, #tpu.memory_space<vmem>>, vector<16xf32>,
        %le3A = arith.cmpf ole, %get3A_140, %gather3A_75 : vector<16xf32>
        %convert_element_type3A = arith.extui %le3A : vector<16xi1> to vector<16xi32>
        %broadcast_in_dim3A_141 = arith.constant true
        %broadcast_in_dim3A_142 = vector.broadcast %broadcast_in_dim3A_141 : i1 to vector<16xi1>
        %masked_cumsum3A = tpu.scan <sum>, %convert_element_type3A masked %broadcast_in_dim3A_142 : vector<16xi32>, vector<16xi1> -> vector<16xi32>
        %add3A_143 = arith.addi %scan3A_137, %masked_cumsum3A : vector<16xi32>
        %sub3A_144 = arith.constant 1 : i32
        %sub3A_145 = vector.broadcast %sub3A_144 : i32 to vector<16xi32>
        %sub3A_146 = arith.subi %add3A_143, %sub3A_145 : vector<16xi32>
        %add3A_147 = vector.broadcast %mul3A_139 : i32 to vector<16xi32>
        %add3A_148 = arith.addi %add3A_147, %iota3A : vector<16xi32>
        tpu.vector_store_idx %arg15[%sub3A_146], %add3A_148 masked %le3A : memref<5056xi32, #tpu.memory_space<vmem>>[vector<16xi32>], vector<16xi32>, vector<16xi1>
        %all_reduce_population_count3A = tpu.all_reduce %le3A {dim = 0 : i64, kind = #tpu.reduction_kind<sum>} : vector<16xi1> -> vector<16xi32>
        %add3A_149 = arith.addi %scan3A_137, %all_reduce_population_count3A : vector<16xi32>
        %add3A_150 = arith.constant 16 : i32
        %add3A_151 = arith.addi %mul3A_139, %add3A_150 : i32
        %get3A_152 = arith.index_cast %add3A_151 : i32 to index
        %get3A_153 = tpu.vector_load %arg14[%get3A_152] {strides = array<i32>} : memref<5056xf32, #tpu.memory_space<vmem>>, vector<16xf32>,
        %le3A_154 = arith.cmpf ole, %get3A_153, %gather3A_75 : vector<16xf32>
        %convert_element_type3A_155 = arith.extui %le3A_154 : vector<16xi1> to vector<16xi32>
        %broadcast_in_dim3A_156 = arith.constant true
        %broadcast_in_dim3A_157 = vector.broadcast %broadcast_in_dim3A_156 : i1 to vector<16xi1>
        %masked_cumsum3A_158 = tpu.scan <sum>, %convert_element_type3A_155 masked %broadcast_in_dim3A_157 : vector<16xi32>, vector<16xi1> -> vector<16xi32>
        %add3A_159 = arith.addi %add3A_149, %masked_cumsum3A_158 : vector<16xi32>
        %sub3A_160 = arith.constant 1 : i32
        %sub3A_161 = vector.broadcast %sub3A_160 : i32 to vector<16xi32>
        %sub3A_162 = arith.subi %add3A_159, %sub3A_161 : vector<16xi32>
        %add3A_163 = vector.broadcast %add3A_151 : i32 to vector<16xi32>
        %add3A_164 = arith.addi %add3A_163, %iota3A : vector<16xi32>
        tpu.vector_store_idx %arg15[%sub3A_162], %add3A_164 masked %le3A_154 : memref<5056xi32, #tpu.memory_space<vmem>>[vector<16xi32>], vector<16xi32>, vector<16xi1>
        %all_reduce_population_count3A_165 = tpu.all_reduce %le3A_154 {dim = 0 : i64, kind = #tpu.reduction_kind<sum>} : vector<16xi1> -> vector<16xi32>
        %add3A_166 = arith.addi %add3A_149, %all_reduce_population_count3A_165 : vector<16xi32>
        %add3A_167 = arith.constant 32 : i32
        %add3A_168 = arith.addi %mul3A_139, %add3A_167 : i32
        %get3A_169 = arith.index_cast %add3A_168 : i32 to index
        %get3A_170 = tpu.vector_load %arg14[%get3A_169] {strides = array<i32>} : memref<5056xf32, #tpu.memory_space<vmem>>, vector<16xf32>,
        %le3A_171 = arith.cmpf ole, %get3A_170, %gather3A_75 : vector<16xf32>
        %convert_element_type3A_172 = arith.extui %le3A_171 : vector<16xi1> to vector<16xi32>
        %broadcast_in_dim3A_173 = arith.constant true
        %broadcast_in_dim3A_174 = vector.broadcast %broadcast_in_dim3A_173 : i1 to vector<16xi1>
        %masked_cumsum3A_175 = tpu.scan <sum>, %convert_element_type3A_172 masked %broadcast_in_dim3A_174 : vector<16xi32>, vector<16xi1> -> vector<16xi32>
        %add3A_176 = arith.addi %add3A_166, %masked_cumsum3A_175 : vector<16xi32>
        %sub3A_177 = arith.constant 1 : i32
        %sub3A_178 = vector.broadcast %sub3A_177 : i32 to vector<16xi32>
        %sub3A_179 = arith.subi %add3A_176, %sub3A_178 : vector<16xi32>
        %add3A_180 = vector.broadcast %add3A_168 : i32 to vector<16xi32>
        %add3A_181 = arith.addi %add3A_180, %iota3A : vector<16xi32>
        tpu.vector_store_idx %arg15[%sub3A_179], %add3A_181 masked %le3A_171 : memref<5056xi32, #tpu.memory_space<vmem>>[vector<16xi32>], vector<16xi32>, vector<16xi1>
        %all_reduce_population_count3A_182 = tpu.all_reduce %le3A_171 {dim = 0 : i64, kind = #tpu.reduction_kind<sum>} : vector<16xi1> -> vector<16xi32>
        %add3A_183 = arith.addi %add3A_166, %all_reduce_population_count3A_182 : vector<16xi32>
        %add3A_184 = arith.constant 48 : i32
        %add3A_185 = arith.addi %mul3A_139, %add3A_184 : i32
        %get3A_186 = arith.index_cast %add3A_185 : i32 to index
        %get3A_187 = tpu.vector_load %arg14[%get3A_186] {strides = array<i32>} : memref<5056xf32, #tpu.memory_space<vmem>>, vector<16xf32>,
        %le3A_188 = arith.cmpf ole, %get3A_187, %gather3A_75 : vector<16xf32>
        %convert_element_type3A_189 = arith.extui %le3A_188 : vector<16xi1> to vector<16xi32>
        %broadcast_in_dim3A_190 = arith.constant true
        %broadcast_in_dim3A_191 = vector.broadcast %broadcast_in_dim3A_190 : i1 to vector<16xi1>
        %masked_cumsum3A_192 = tpu.scan <sum>, %convert_element_type3A_189 masked %broadcast_in_dim3A_191 : vector<16xi32>, vector<16xi1> -> vector<16xi32>
        %add3A_193 = arith.addi %add3A_183, %masked_cumsum3A_192 : vector<16xi32>
        %sub3A_194 = arith.constant 1 : i32
        %sub3A_195 = vector.broadcast %sub3A_194 : i32 to vector<16xi32>
        %sub3A_196 = arith.subi %add3A_193, %sub3A_195 : vector<16xi32>
        %add3A_197 = vector.broadcast %add3A_185 : i32 to vector<16xi32>
        %add3A_198 = arith.addi %add3A_197, %iota3A : vector<16xi32>
        tpu.vector_store_idx %arg15[%sub3A_196], %add3A_198 masked %le3A_188 : memref<5056xi32, #tpu.memory_space<vmem>>[vector<16xi32>], vector<16xi32>, vector<16xi1>
        %all_reduce_population_count3A_199 = tpu.all_reduce %le3A_188 {dim = 0 : i64, kind = #tpu.reduction_kind<sum>} : vector<16xi1> -> vector<16xi32>
        %add3A_200 = arith.addi %add3A_183, %all_reduce_population_count3A_199 : vector<16xi32>
        scf.yield %add3A_200 : vector<16xi32>
      }
      %scan3A_83 = arith.constant 79 : i32
      %reduce_max3A = arith.constant true
      %reduce_max3A_84 = vector.broadcast %reduce_max3A : i1 to vector<16xi1>
      %reduce_max3A_85 = arith.constant -2147483648 : i32
      %reduce_max3A_86 = vector.broadcast %reduce_max3A_85 : i32 to vector<16xi32>
      %reduce_max3A_87 = arith.xori %scan3A_82, %reduce_max3A_86 : vector<16xi32>
      %reduce_max3A_88 = tpu.scan <max>, %reduce_max3A_87 masked %reduce_max3A_84 : vector<16xi32>, vector<16xi1> -> vector<16xi32>
      %reduce_max3A_89 = arith.xori %reduce_max3A_88, %reduce_max3A_86 : vector<16xi32>
      %reduce_max3A_90 = vector.extract %reduce_max3A_89[15] : i32 from vector<16xi32>
      %add3A_91 = arith.constant 15 : i32
      %add3A_92 = arith.addi %reduce_max3A_90, %add3A_91 : i32
      %jit3A_93 = arith.constant 16 : i32
      %div3A_94 = arith.divsi %add3A_92, %jit3A_93 : i32
      %sign3A_95 = arith.constant 0 : i32
      %sign3A_96 = arith.cmpi sgt, %add3A_92, %sign3A_95 : i32
      %sign3A_97 = arith.extui %sign3A_96 : i1 to i32
      %sign3A_98 = arith.constant 0 : i32
      %sign3A_99 = arith.cmpi slt, %add3A_92, %sign3A_98 : i32
      %sign3A_100 = arith.extui %sign3A_99 : i1 to i32
      %sign3A_101 = arith.subi %sign3A_97, %sign3A_100 : i32
      %sign3A_102 = arith.constant 0 : i32
      %sign3A_103 = arith.cmpi sgt, %jit3A_93, %sign3A_102 : i32
      %sign3A_104 = arith.extui %sign3A_103 : i1 to i32
      %sign3A_105 = arith.constant 0 : i32
      %sign3A_106 = arith.cmpi slt, %jit3A_93, %sign3A_105 : i32
      %sign3A_107 = arith.extui %sign3A_106 : i1 to i32
      %sign3A_108 = arith.subi %sign3A_104, %sign3A_107 : i32
      %ne3A_109 = arith.cmpi ne, %sign3A_101, %sign3A_108 : i32
      %rem3A_110 = arith.remsi %add3A_92, %jit3A_93 : i32
      %ne3A_111 = arith.constant 0 : i32
      %ne3A_112 = arith.cmpi ne, %rem3A_110, %ne3A_111 : i32
      %and3A_113 = arith.andi %ne3A_109, %ne3A_112 : i1
      %sub3A_114 = arith.constant 1 : i32
      %sub3A_115 = arith.subi %div3A_94, %sub3A_114 : i32
      %select_n3A_116 = arith.select %and3A_113, %sub3A_115, %div3A_94 : i32
      %broadcast_in_dim3A_117 = arith.constant 0 : i32
      %broadcast_in_dim3A_118 = vector.broadcast %broadcast_in_dim3A_117 : i32 to vector<16xi32>
      %while3A = arith.constant 0 : i32
      %while3A_119 = arith.subi %select_n3A_116, %while3A : i32
      %while3A_120 = arith.addi %while3A, %while3A_119 : i32
      %while3A_121 = arith.constant 1 : i32
      %while3A_122 = arith.divsi %while3A_119, %while3A_121 : i32
      %while3A_123 = arith.muli %while3A_122, %while3A_121 : i32
      %while3A_124 = arith.addi %while3A, %while3A_123 : i32
      %while3A_125 = arith.constant 1 : i32
      %while3A_126:2 = scf.for %while3A_136 = %while3A to %while3A_124 step %while3A_125 iter_args(%while3A_137 = %broadcast_in_dim3A_62, %while3A_138 = %broadcast_in_dim3A_118) -> (vector<16xf32>, vector<16xi32>)  : i32 {
        %mul3A_139 = arith.constant 16 : i32
        %mul3A_140 = arith.muli %while3A_136, %mul3A_139 : i32
        %add3A_141 = vector.broadcast %mul3A_140 : i32 to vector<16xi32>
        %add3A_142 = arith.addi %add3A_141, %iota3A : vector<16xi32>
        %lt3A_143 = arith.cmpi slt, %add3A_142, %scan3A_82 : vector<16xi32>
        %get3A = arith.index_cast %mul3A_140 : i32 to index
        %get3A_144 = tpu.vector_load %arg15[%get3A] {strides = array<i32>} : memref<5056xi32, #tpu.memory_space<vmem>>, vector<16xi32>,
        %jit3A_145 = arith.constant 0 : i32
        %broadcast_in_dim3A_146 = vector.broadcast %jit3A_145 : i32 to vector<16xi32>
        %select_n3A_147 = arith.select %lt3A_143, %get3A_144, %broadcast_in_dim3A_146 : vector<16xi1>, vector<16xi32>
        %gather3A_148 = tpu.vector_load_idx %arg14[%select_n3A_147] : memref<5056xf32, #tpu.memory_space<vmem>>[vector<16xi32>], vector<16xf32>,
        %jit3A_149 = arith.constant 0x7F800000 : f32
        %broadcast_in_dim3A_150 = vector.broadcast %jit3A_149 : f32 to vector<16xf32>
        %select_n3A_151 = arith.select %lt3A_143, %gather3A_148, %broadcast_in_dim3A_150 : vector<16xi1>, vector<16xf32>
        %masked_sort3A_152 = arith.constant dense<true> : vector<16xi1>
        %masked_sort3A_153, %masked_sort3A_154, %masked_sort3A_155 = tpu.sort %select_n3A_151, %select_n3A_147 masked %masked_sort3A_152 : (vector<16xf32>, vector<16xi32>, vector<16xi1>) -> (vector<16xi1>, vector<16xf32>, vector<16xi32>)
        %swap3A_156 = arith.constant 0 : index
        %swap3A_157 = tpu.vector_load %arg16[%swap3A_156] {strides = array<i32>} : memref<32xf32, #tpu.memory_space<vmem>>, vector<16xf32>,
        tpu.vector_store %arg16[%swap3A_156], %while3A_137 {strides = array<i32>} : memref<32xf32, #tpu.memory_space<vmem>>, vector<16xf32>,
        %swap3A_158 = arith.constant 0 : index
        %swap3A_159 = tpu.vector_load %arg17[%swap3A_158] {strides = array<i32>} : memref<32xi32, #tpu.memory_space<vmem>>, vector<16xi32>,
        tpu.vector_store %arg17[%swap3A_158], %while3A_138 {strides = array<i32>} : memref<32xi32, #tpu.memory_space<vmem>>, vector<16xi32>,
        %swap3A_160 = arith.constant 16 : index
        %swap3A_161 = tpu.vector_load %arg16[%swap3A_160] {strides = array<i32>} : memref<32xf32, #tpu.memory_space<vmem>>, vector<16xf32>,
        tpu.vector_store %arg16[%swap3A_160], %masked_sort3A_154 {strides = array<i32>} : memref<32xf32, #tpu.memory_space<vmem>>, vector<16xf32>,
        %swap3A_162 = arith.constant 16 : index
        %swap3A_163 = tpu.vector_load %arg17[%swap3A_162] {strides = array<i32>} : memref<32xi32, #tpu.memory_space<vmem>>, vector<16xi32>,
        tpu.vector_store %arg17[%swap3A_162], %masked_sort3A_155 {strides = array<i32>} : memref<32xi32, #tpu.memory_space<vmem>>, vector<16xi32>,
        %lt3A_164 = arith.constant 5 : i32
        %lt3A_165 = vector.broadcast %lt3A_164 : i32 to vector<16xi32>
        %lt3A_166 = arith.cmpi slt, %iota3A, %lt3A_165 : vector<16xi32>
        %add3A_167 = arith.constant 11 : i32
        %add3A_168 = vector.broadcast %add3A_167 : i32 to vector<16xi32>
        %add3A_169 = arith.addi %iota3A, %add3A_168 : vector<16xi32>
        %select_n3A_170 = arith.select %lt3A_166, %iota3A, %add3A_169 : vector<16xi1>, vector<16xi32>
        %gather3A_171 = tpu.vector_load_idx %arg16[%select_n3A_170] : memref<32xf32, #tpu.memory_space<vmem>>[vector<16xi32>], vector<16xf32>,
        %gather3A_172 = tpu.vector_load_idx %arg17[%select_n3A_170] : memref<32xi32, #tpu.memory_space<vmem>>[vector<16xi32>], vector<16xi32>,
        %masked_sort3A_173 = arith.constant dense<true> : vector<16xi1>
        %masked_sort3A_174, %masked_sort3A_175, %masked_sort3A_176 = tpu.sort %gather3A_171, %gather3A_172 masked %masked_sort3A_173 : (vector<16xf32>, vector<16xi32>, vector<16xi1>) -> (vector<16xi1>, vector<16xf32>, vector<16xi32>)
        scf.yield %masked_sort3A_175, %masked_sort3A_176 : vector<16xf32>, vector<16xi32>
      }
      %while3A_127 = arith.constant 1 : i32
      %while3A_128:2 = scf.for %while3A_136 = %while3A_124 to %while3A_120 step %while3A_127 iter_args(%while3A_137 = %while3A_126#0, %while3A_138 = %while3A_126#1) -> (vector<16xf32>, vector<16xi32>)  : i32 {
        %mul3A_139 = arith.constant 16 : i32
        %mul3A_140 = arith.muli %while3A_136, %mul3A_139 : i32
        %add3A_141 = vector.broadcast %mul3A_140 : i32 to vector<16xi32>
        %add3A_142 = arith.addi %add3A_141, %iota3A : vector<16xi32>
        %lt3A_143 = arith.cmpi slt, %add3A_142, %scan3A_82 : vector<16xi32>
        %get3A = arith.index_cast %mul3A_140 : i32 to index
        %get3A_144 = tpu.vector_load %arg15[%get3A] {strides = array<i32>} : memref<5056xi32, #tpu.memory_space<vmem>>, vector<16xi32>,
        %jit3A_145 = arith.constant 0 : i32
        %broadcast_in_dim3A_146 = vector.broadcast %jit3A_145 : i32 to vector<16xi32>
        %select_n3A_147 = arith.select %lt3A_143, %get3A_144, %broadcast_in_dim3A_146 : vector<16xi1>, vector<16xi32>
        %gather3A_148 = tpu.vector_load_idx %arg14[%select_n3A_147] : memref<5056xf32, #tpu.memory_space<vmem>>[vector<16xi32>], vector<16xf32>,
        %jit3A_149 = arith.constant 0x7F800000 : f32
        %broadcast_in_dim3A_150 = vector.broadcast %jit3A_149 : f32 to vector<16xf32>
        %select_n3A_151 = arith.select %lt3A_143, %gather3A_148, %broadcast_in_dim3A_150 : vector<16xi1>, vector<16xf32>
        %masked_sort3A_152 = arith.constant dense<true> : vector<16xi1>
        %masked_sort3A_153, %masked_sort3A_154, %masked_sort3A_155 = tpu.sort %select_n3A_151, %select_n3A_147 masked %masked_sort3A_152 : (vector<16xf32>, vector<16xi32>, vector<16xi1>) -> (vector<16xi1>, vector<16xf32>, vector<16xi32>)
        %swap3A_156 = arith.constant 0 : index
        %swap3A_157 = tpu.vector_load %arg16[%swap3A_156] {strides = array<i32>} : memref<32xf32, #tpu.memory_space<vmem>>, vector<16xf32>,
        tpu.vector_store %arg16[%swap3A_156], %while3A_137 {strides = array<i32>} : memref<32xf32, #tpu.memory_space<vmem>>, vector<16xf32>,
        %swap3A_158 = arith.constant 0 : index
        %swap3A_159 = tpu.vector_load %arg17[%swap3A_158] {strides = array<i32>} : memref<32xi32, #tpu.memory_space<vmem>>, vector<16xi32>,
        tpu.vector_store %arg17[%swap3A_158], %while3A_138 {strides = array<i32>} : memref<32xi32, #tpu.memory_space<vmem>>, vector<16xi32>,
        %swap3A_160 = arith.constant 16 : index
        %swap3A_161 = tpu.vector_load %arg16[%swap3A_160] {strides = array<i32>} : memref<32xf32, #tpu.memory_space<vmem>>, vector<16xf32>,
        tpu.vector_store %arg16[%swap3A_160], %masked_sort3A_154 {strides = array<i32>} : memref<32xf32, #tpu.memory_space<vmem>>, vector<16xf32>,
        %swap3A_162 = arith.constant 16 : index
        %swap3A_163 = tpu.vector_load %arg17[%swap3A_162] {strides = array<i32>} : memref<32xi32, #tpu.memory_space<vmem>>, vector<16xi32>,
        tpu.vector_store %arg17[%swap3A_162], %masked_sort3A_155 {strides = array<i32>} : memref<32xi32, #tpu.memory_space<vmem>>, vector<16xi32>,
        %lt3A_164 = arith.constant 5 : i32
        %lt3A_165 = vector.broadcast %lt3A_164 : i32 to vector<16xi32>
        %lt3A_166 = arith.cmpi slt, %iota3A, %lt3A_165 : vector<16xi32>
        %add3A_167 = arith.constant 11 : i32
        %add3A_168 = vector.broadcast %add3A_167 : i32 to vector<16xi32>
        %add3A_169 = arith.addi %iota3A, %add3A_168 : vector<16xi32>
        %select_n3A_170 = arith.select %lt3A_166, %iota3A, %add3A_169 : vector<16xi1>, vector<16xi32>
        %gather3A_171 = tpu.vector_load_idx %arg16[%select_n3A_170] : memref<32xf32, #tpu.memory_space<vmem>>[vector<16xi32>], vector<16xf32>,
        %gather3A_172 = tpu.vector_load_idx %arg17[%select_n3A_170] : memref<32xi32, #tpu.memory_space<vmem>>[vector<16xi32>], vector<16xi32>,
        %masked_sort3A_173 = arith.constant dense<true> : vector<16xi1>
        %masked_sort3A_174, %masked_sort3A_175, %masked_sort3A_176 = tpu.sort %gather3A_171, %gather3A_172 masked %masked_sort3A_173 : (vector<16xf32>, vector<16xi32>, vector<16xi1>) -> (vector<16xi1>, vector<16xf32>, vector<16xi32>)
        scf.yield %masked_sort3A_175, %masked_sort3A_176 : vector<16xf32>, vector<16xi32>
      }
      %mul3A_129 = arith.constant 5 : i32
      %mul3A_130 = arith.muli %scan3A_49, %mul3A_129 : i32
      %add3A_131 = vector.broadcast %mul3A_130 : i32 to vector<16xi32>
      %add3A_132 = arith.addi %add3A_131, %iota3A : vector<16xi32>
      %lt3A_133 = arith.constant 5 : i32
      %lt3A_134 = vector.broadcast %lt3A_133 : i32 to vector<16xi32>
      %lt3A_135 = arith.cmpi slt, %iota3A, %lt3A_134 : vector<16xi32>
      tpu.vector_store_idx %arg18[%add3A_132], %while3A_128#1 masked %lt3A_135 : memref<64xi32, #tpu.memory_space<vmem>>[vector<16xi32>], vector<16xi32>, vector<16xi1>
    }
    %scan3A_48 = arith.constant 5 : i32
    "tpu.region"() ({
      %run_scoped3A_49 = tpu.sem_alloc : memref<!tpu.dma_semaphore, #tpu.memory_space<semaphore_mem>>
      %dma_start3A = arith.constant 0 : i32
      %dma_start3A_50 = tpu.memref_slice %arg4[%add3A, %dma_start3A] : memref<32x64xi32, #tpu.memory_space<hbm>> -> memref<1x64xi32, #tpu.memory_space<hbm>>
      %dma_start3A_51 = tpu.memref_squeeze %dma_start3A_50 : memref<1x64xi32, #tpu.memory_space<hbm>> -> memref<64xi32, #tpu.memory_space<hbm>>
      %dma_start3A_52 = arith.constant 0 : i32
      %dma_start3A_53 = tpu.memref_slice %arg4[%add3A, %dma_start3A_52] : memref<32x64xi32, #tpu.memory_space<hbm>> -> memref<1x64xi32, #tpu.memory_space<hbm>>
      %dma_start3A_54 = tpu.memref_squeeze %dma_start3A_53 : memref<1x64xi32, #tpu.memory_space<hbm>> -> memref<64xi32, #tpu.memory_space<hbm>>
      tpu.enqueue_dma source(%arg18 : memref<64xi32, #tpu.memory_space<vmem>>) target(%dma_start3A_54 : memref<64xi32, #tpu.memory_space<hbm>>) target_semaphore(%run_scoped3A_49 : memref<!tpu.dma_semaphore, #tpu.memory_space<semaphore_mem>>)
      %dma_wait3A = arith.constant 0 : i32
      %dma_wait3A_55 = tpu.memref_slice %arg4[%add3A, %dma_wait3A] : memref<32x64xi32, #tpu.memory_space<hbm>> -> memref<1x64xi32, #tpu.memory_space<hbm>>
      %dma_wait3A_56 = tpu.memref_squeeze %dma_wait3A_55 : memref<1x64xi32, #tpu.memory_space<hbm>> -> memref<64xi32, #tpu.memory_space<hbm>>
      %dma_wait3A_57 = arith.constant 0 : i32
      %dma_wait3A_58 = tpu.memref_slice %arg4[%add3A, %dma_wait3A_57] : memref<32x64xi32, #tpu.memory_space<hbm>> -> memref<1x64xi32, #tpu.memory_space<hbm>>
      %dma_wait3A_59 = tpu.memref_squeeze %dma_wait3A_58 : memref<1x64xi32, #tpu.memory_space<hbm>> -> memref<64xi32, #tpu.memory_space<hbm>>
      tpu.wait_dma2 semaphore(%run_scoped3A_49 : memref<!tpu.dma_semaphore, #tpu.memory_space<semaphore_mem>>) src(%arg18 : memref<64xi32, #tpu.memory_space<vmem>>) dst(%dma_wait3A_59 : memref<64xi32, #tpu.memory_space<hbm>>)
      tpu.yield
    }) : () -> ()
    return
  }
}

module attributes {stable_mosaic.version = 14 : i64} {
  func.func @_tc_match(%arg0: i32, %arg1: memref<1x4x5056xf32, #tpu.memory_space<vmem>>, %arg2: memref<1x80x4xf32, #tpu.memory_space<vmem>>, %arg3: memref<1x80x5xi32, #tpu.memory_space<vmem>>) attributes {dimension_semantics = [#tpu.dimension_semantics<arbitrary>], iteration_bounds = array<i64: 8>, scalar_prefetch = 0 : i64, scratch_operands = 0 : i64, tpu.core_type = #tpu.core_type<tc>, window_params = [{transform_indices = @transform_0, window_bounds = array<i64: 1, 4, 5056>}, {transform_indices = @transform_1, window_bounds = array<i64: 1, 80, 4>}, {transform_indices = @transform_2, window_bounds = array<i64: 1, 80, 5>}]} {
    %get3A = arith.constant 0 : index
    %get3A_0 = arith.constant 0 : index
    %get3A_1 = arith.constant 0 : index
    %get3A_2 = vector.load %arg1[%get3A, %get3A_0, %get3A_1] : memref<1x4x5056xf32, #tpu.memory_space<vmem>>, vector<1x4x5056xf32>
    %get3A_3 = vector.shape_cast %get3A_2 : vector<1x4x5056xf32> to vector<4x5056xf32>
    %get3A_4 = arith.constant 0 : index
    %get3A_5 = arith.constant 0 : index
    %get3A_6 = arith.constant 0 : index
    %get3A_7 = vector.load %arg2[%get3A_4, %get3A_5, %get3A_6] : memref<1x80x4xf32, #tpu.memory_space<vmem>>, vector<1x80x4xf32>
    %get3A_8 = vector.shape_cast %get3A_7 : vector<1x80x4xf32> to vector<80x4xf32>
    %slice3A = vector.extract_strided_slice %get3A_3 {offsets = [0, 0], sizes = [1, 5000], strides = [1, 1]} : vector<4x5056xf32> to vector<1x5000xf32>
    %slice3A_9 = vector.extract_strided_slice %get3A_3 {offsets = [1, 0], sizes = [1, 5000], strides = [1, 1]} : vector<4x5056xf32> to vector<1x5000xf32>
    %slice3A_10 = vector.extract_strided_slice %get3A_3 {offsets = [2, 0], sizes = [1, 5000], strides = [1, 1]} : vector<4x5056xf32> to vector<1x5000xf32>
    %slice3A_11 = vector.extract_strided_slice %get3A_3 {offsets = [3, 0], sizes = [1, 5000], strides = [1, 1]} : vector<4x5056xf32> to vector<1x5000xf32>
    %slice3A_12 = vector.extract_strided_slice %get3A_8 {offsets = [0, 0], sizes = [80, 1], strides = [1, 1]} : vector<80x4xf32> to vector<80x1xf32>
    %slice3A_13 = vector.extract_strided_slice %get3A_8 {offsets = [0, 1], sizes = [80, 1], strides = [1, 1]} : vector<80x4xf32> to vector<80x1xf32>
    %slice3A_14 = vector.extract_strided_slice %get3A_8 {offsets = [0, 2], sizes = [80, 1], strides = [1, 1]} : vector<80x4xf32> to vector<80x1xf32>
    %slice3A_15 = vector.extract_strided_slice %get3A_8 {offsets = [0, 3], sizes = [80, 1], strides = [1, 1]} : vector<80x4xf32> to vector<80x1xf32>
    %sub3A = vector.broadcast %slice3A : vector<1x5000xf32> to vector<80x5000xf32>
    %sub3A_16 = vector.broadcast %slice3A_12 : vector<80x1xf32> to vector<80x5000xf32>
    %sub3A_17 = arith.subf %sub3A, %sub3A_16 : vector<80x5000xf32>
    %abs3A = math.absf %sub3A_17 : vector<80x5000xf32>
    %sub3A_18 = vector.broadcast %slice3A_9 : vector<1x5000xf32> to vector<80x5000xf32>
    %sub3A_19 = vector.broadcast %slice3A_13 : vector<80x1xf32> to vector<80x5000xf32>
    %sub3A_20 = arith.subf %sub3A_18, %sub3A_19 : vector<80x5000xf32>
    %abs3A_21 = math.absf %sub3A_20 : vector<80x5000xf32>
    %add3A = arith.addf %abs3A, %abs3A_21 : vector<80x5000xf32>
    %sub3A_22 = vector.broadcast %slice3A_10 : vector<1x5000xf32> to vector<80x5000xf32>
    %sub3A_23 = vector.broadcast %slice3A_14 : vector<80x1xf32> to vector<80x5000xf32>
    %sub3A_24 = arith.subf %sub3A_22, %sub3A_23 : vector<80x5000xf32>
    %abs3A_25 = math.absf %sub3A_24 : vector<80x5000xf32>
    %add3A_26 = arith.addf %add3A, %abs3A_25 : vector<80x5000xf32>
    %sub3A_27 = vector.broadcast %slice3A_11 : vector<1x5000xf32> to vector<80x5000xf32>
    %sub3A_28 = vector.broadcast %slice3A_15 : vector<80x1xf32> to vector<80x5000xf32>
    %sub3A_29 = arith.subf %sub3A_27, %sub3A_28 : vector<80x5000xf32>
    %abs3A_30 = math.absf %sub3A_29 : vector<80x5000xf32>
    %add3A_31 = arith.addf %add3A_26, %abs3A_30 : vector<80x5000xf32>
    %sub3A_32 = arith.subf %slice3A_10, %slice3A : vector<1x5000xf32>
    %sub3A_33 = arith.subf %slice3A_11, %slice3A_9 : vector<1x5000xf32>
    %mul3A = arith.mulf %sub3A_32, %sub3A_33 : vector<1x5000xf32>
    %sub3A_34 = arith.subf %slice3A_14, %slice3A_12 : vector<80x1xf32>
    %sub3A_35 = arith.subf %slice3A_15, %slice3A_13 : vector<80x1xf32>
    %mul3A_36 = arith.mulf %sub3A_34, %sub3A_35 : vector<80x1xf32>
    %max3A = vector.broadcast %slice3A : vector<1x5000xf32> to vector<80x5000xf32>
    %max3A_37 = vector.broadcast %slice3A_12 : vector<80x1xf32> to vector<80x5000xf32>
    %max3A_38 = arith.maximumf %max3A, %max3A_37 : vector<80x5000xf32>
    %max3A_39 = vector.broadcast %slice3A_9 : vector<1x5000xf32> to vector<80x5000xf32>
    %max3A_40 = vector.broadcast %slice3A_13 : vector<80x1xf32> to vector<80x5000xf32>
    %max3A_41 = arith.maximumf %max3A_39, %max3A_40 : vector<80x5000xf32>
    %min3A = vector.broadcast %slice3A_10 : vector<1x5000xf32> to vector<80x5000xf32>
    %min3A_42 = vector.broadcast %slice3A_14 : vector<80x1xf32> to vector<80x5000xf32>
    %min3A_43 = arith.minimumf %min3A, %min3A_42 : vector<80x5000xf32>
    %min3A_44 = vector.broadcast %slice3A_11 : vector<1x5000xf32> to vector<80x5000xf32>
    %min3A_45 = vector.broadcast %slice3A_15 : vector<80x1xf32> to vector<80x5000xf32>
    %min3A_46 = arith.minimumf %min3A_44, %min3A_45 : vector<80x5000xf32>
    %sub3A_47 = arith.subf %min3A_43, %max3A_38 : vector<80x5000xf32>
    %max3A_48 = arith.constant 0.000000e+00 : f32
    %max3A_49 = vector.broadcast %max3A_48 : f32 to vector<80x5000xf32>
    %max3A_50 = arith.maximumf %sub3A_47, %max3A_49 : vector<80x5000xf32>
    %sub3A_51 = arith.subf %min3A_46, %max3A_41 : vector<80x5000xf32>
    %max3A_52 = arith.constant 0.000000e+00 : f32
    %max3A_53 = vector.broadcast %max3A_52 : f32 to vector<80x5000xf32>
    %max3A_54 = arith.maximumf %sub3A_51, %max3A_53 : vector<80x5000xf32>
    %mul3A_55 = arith.mulf %max3A_50, %max3A_54 : vector<80x5000xf32>
    %add3A_56 = vector.broadcast %mul3A : vector<1x5000xf32> to vector<80x5000xf32>
    %add3A_57 = vector.broadcast %mul3A_36 : vector<80x1xf32> to vector<80x5000xf32>
    %add3A_58 = arith.addf %add3A_56, %add3A_57 : vector<80x5000xf32>
    %sub3A_59 = arith.subf %add3A_58, %mul3A_55 : vector<80x5000xf32>
    %div3A = arith.divf %mul3A_55, %sub3A_59 : vector<80x5000xf32>
    %max3A_60 = vector.broadcast %slice3A_10 : vector<1x5000xf32> to vector<80x5000xf32>
    %max3A_61 = vector.broadcast %slice3A_14 : vector<80x1xf32> to vector<80x5000xf32>
    %max3A_62 = arith.maximumf %max3A_60, %max3A_61 : vector<80x5000xf32>
    %min3A_63 = vector.broadcast %slice3A : vector<1x5000xf32> to vector<80x5000xf32>
    %min3A_64 = vector.broadcast %slice3A_12 : vector<80x1xf32> to vector<80x5000xf32>
    %min3A_65 = arith.minimumf %min3A_63, %min3A_64 : vector<80x5000xf32>
    %sub3A_66 = arith.subf %max3A_62, %min3A_65 : vector<80x5000xf32>
    %max3A_67 = vector.broadcast %slice3A_11 : vector<1x5000xf32> to vector<80x5000xf32>
    %max3A_68 = vector.broadcast %slice3A_15 : vector<80x1xf32> to vector<80x5000xf32>
    %max3A_69 = arith.maximumf %max3A_67, %max3A_68 : vector<80x5000xf32>
    %min3A_70 = vector.broadcast %slice3A_9 : vector<1x5000xf32> to vector<80x5000xf32>
    %min3A_71 = vector.broadcast %slice3A_13 : vector<80x1xf32> to vector<80x5000xf32>
    %min3A_72 = arith.minimumf %min3A_70, %min3A_71 : vector<80x5000xf32>
    %sub3A_73 = arith.subf %max3A_69, %min3A_72 : vector<80x5000xf32>
    %max3A_74 = arith.constant 0.000000e+00 : f32
    %max3A_75 = vector.broadcast %max3A_74 : f32 to vector<80x5000xf32>
    %max3A_76 = arith.maximumf %sub3A_66, %max3A_75 : vector<80x5000xf32>
    %max3A_77 = arith.constant 0.000000e+00 : f32
    %max3A_78 = vector.broadcast %max3A_77 : f32 to vector<80x5000xf32>
    %max3A_79 = arith.maximumf %sub3A_73, %max3A_78 : vector<80x5000xf32>
    %mul3A_80 = arith.mulf %max3A_76, %max3A_79 : vector<80x5000xf32>
    %sub3A_81 = arith.subf %mul3A_80, %sub3A_59 : vector<80x5000xf32>
    %div3A_82 = arith.divf %sub3A_81, %mul3A_80 : vector<80x5000xf32>
    %sub3A_83 = arith.subf %div3A, %div3A_82 : vector<80x5000xf32>
    %mul3A_84 = arith.constant 1.000000e+00 : f32
    %mul3A_85 = vector.broadcast %mul3A_84 : f32 to vector<80x5000xf32>
    %mul3A_86 = arith.mulf %mul3A_85, %add3A_31 : vector<80x5000xf32>
    %sub3A_87 = arith.constant 1.000000e+00 : f32
    %sub3A_88 = vector.broadcast %sub3A_87 : f32 to vector<80x5000xf32>
    %sub3A_89 = arith.subf %sub3A_88, %sub3A_83 : vector<80x5000xf32>
    %mul3A_90 = arith.constant 1.000000e+00 : f32
    %mul3A_91 = vector.broadcast %mul3A_90 : f32 to vector<80x5000xf32>
    %mul3A_92 = arith.mulf %mul3A_91, %sub3A_89 : vector<80x5000xf32>
    %add3A_93 = arith.addf %mul3A_86, %mul3A_92 : vector<80x5000xf32>
    %iota3A = tpu.iota {dimensions = array<i32: 1>} : vector<80x5000xi32>
    %reduce_min3A = arith.constant dense<0x7F800000> : vector<80xf32>
    %reduce_min3A_94 = vector.multi_reduction <minimumf>, %add3A_93, %reduce_min3A [1] : vector<80x5000xf32> to vector<80xf32>
    %broadcast_in_dim3A = vector.shape_cast %reduce_min3A_94 : vector<80xf32> to vector<80x1xf32>
    %eq3A = vector.broadcast %broadcast_in_dim3A : vector<80x1xf32> to vector<80x5000xf32>
    %eq3A_95 = arith.cmpf oeq, %add3A_93, %eq3A : vector<80x5000xf32>
    %jit3A = arith.constant 1073741824 : i32
    %broadcast_in_dim3A_96 = vector.broadcast %jit3A : i32 to vector<80x5000xi32>
    %select_n3A = arith.select %eq3A_95, %iota3A, %broadcast_in_dim3A_96 : vector<80x5000xi1>, vector<80x5000xi32>
    %reduce_min3A_97 = arith.constant dense<2147483647> : vector<80xi32>
    %reduce_min3A_98 = vector.multi_reduction <minsi>, %select_n3A, %reduce_min3A_97 [1] : vector<80x5000xi32> to vector<80xi32>
    %broadcast_in_dim3A_99 = vector.shape_cast %reduce_min3A_98 : vector<80xi32> to vector<80x1xi32>
    %eq3A_100 = vector.broadcast %broadcast_in_dim3A_99 : vector<80x1xi32> to vector<80x5000xi32>
    %eq3A_101 = arith.cmpi eq, %iota3A, %eq3A_100 : vector<80x5000xi32>
    %jit3A_102 = arith.constant 0x7F800000 : f32
    %broadcast_in_dim3A_103 = vector.broadcast %jit3A_102 : f32 to vector<80x5000xf32>
    %select_n3A_104 = arith.select %eq3A_101, %broadcast_in_dim3A_103, %add3A_93 : vector<80x5000xi1>, vector<80x5000xf32>
    %reduce_min3A_105 = arith.constant dense<0x7F800000> : vector<80xf32>
    %reduce_min3A_106 = vector.multi_reduction <minimumf>, %select_n3A_104, %reduce_min3A_105 [1] : vector<80x5000xf32> to vector<80xf32>
    %broadcast_in_dim3A_107 = vector.shape_cast %reduce_min3A_106 : vector<80xf32> to vector<80x1xf32>
    %eq3A_108 = vector.broadcast %broadcast_in_dim3A_107 : vector<80x1xf32> to vector<80x5000xf32>
    %eq3A_109 = arith.cmpf oeq, %select_n3A_104, %eq3A_108 : vector<80x5000xf32>
    %jit3A_110 = arith.constant 1073741824 : i32
    %broadcast_in_dim3A_111 = vector.broadcast %jit3A_110 : i32 to vector<80x5000xi32>
    %select_n3A_112 = arith.select %eq3A_109, %iota3A, %broadcast_in_dim3A_111 : vector<80x5000xi1>, vector<80x5000xi32>
    %reduce_min3A_113 = arith.constant dense<2147483647> : vector<80xi32>
    %reduce_min3A_114 = vector.multi_reduction <minsi>, %select_n3A_112, %reduce_min3A_113 [1] : vector<80x5000xi32> to vector<80xi32>
    %broadcast_in_dim3A_115 = vector.shape_cast %reduce_min3A_114 : vector<80xi32> to vector<80x1xi32>
    %eq3A_116 = vector.broadcast %broadcast_in_dim3A_115 : vector<80x1xi32> to vector<80x5000xi32>
    %eq3A_117 = arith.cmpi eq, %iota3A, %eq3A_116 : vector<80x5000xi32>
    %jit3A_118 = arith.constant 0x7F800000 : f32
    %broadcast_in_dim3A_119 = vector.broadcast %jit3A_118 : f32 to vector<80x5000xf32>
    %select_n3A_120 = arith.select %eq3A_117, %broadcast_in_dim3A_119, %select_n3A_104 : vector<80x5000xi1>, vector<80x5000xf32>
    %reduce_min3A_121 = arith.constant dense<0x7F800000> : vector<80xf32>
    %reduce_min3A_122 = vector.multi_reduction <minimumf>, %select_n3A_120, %reduce_min3A_121 [1] : vector<80x5000xf32> to vector<80xf32>
    %broadcast_in_dim3A_123 = vector.shape_cast %reduce_min3A_122 : vector<80xf32> to vector<80x1xf32>
    %eq3A_124 = vector.broadcast %broadcast_in_dim3A_123 : vector<80x1xf32> to vector<80x5000xf32>
    %eq3A_125 = arith.cmpf oeq, %select_n3A_120, %eq3A_124 : vector<80x5000xf32>
    %jit3A_126 = arith.constant 1073741824 : i32
    %broadcast_in_dim3A_127 = vector.broadcast %jit3A_126 : i32 to vector<80x5000xi32>
    %select_n3A_128 = arith.select %eq3A_125, %iota3A, %broadcast_in_dim3A_127 : vector<80x5000xi1>, vector<80x5000xi32>
    %reduce_min3A_129 = arith.constant dense<2147483647> : vector<80xi32>
    %reduce_min3A_130 = vector.multi_reduction <minsi>, %select_n3A_128, %reduce_min3A_129 [1] : vector<80x5000xi32> to vector<80xi32>
    %broadcast_in_dim3A_131 = vector.shape_cast %reduce_min3A_130 : vector<80xi32> to vector<80x1xi32>
    %eq3A_132 = vector.broadcast %broadcast_in_dim3A_131 : vector<80x1xi32> to vector<80x5000xi32>
    %eq3A_133 = arith.cmpi eq, %iota3A, %eq3A_132 : vector<80x5000xi32>
    %jit3A_134 = arith.constant 0x7F800000 : f32
    %broadcast_in_dim3A_135 = vector.broadcast %jit3A_134 : f32 to vector<80x5000xf32>
    %select_n3A_136 = arith.select %eq3A_133, %broadcast_in_dim3A_135, %select_n3A_120 : vector<80x5000xi1>, vector<80x5000xf32>
    %reduce_min3A_137 = arith.constant dense<0x7F800000> : vector<80xf32>
    %reduce_min3A_138 = vector.multi_reduction <minimumf>, %select_n3A_136, %reduce_min3A_137 [1] : vector<80x5000xf32> to vector<80xf32>
    %broadcast_in_dim3A_139 = vector.shape_cast %reduce_min3A_138 : vector<80xf32> to vector<80x1xf32>
    %eq3A_140 = vector.broadcast %broadcast_in_dim3A_139 : vector<80x1xf32> to vector<80x5000xf32>
    %eq3A_141 = arith.cmpf oeq, %select_n3A_136, %eq3A_140 : vector<80x5000xf32>
    %jit3A_142 = arith.constant 1073741824 : i32
    %broadcast_in_dim3A_143 = vector.broadcast %jit3A_142 : i32 to vector<80x5000xi32>
    %select_n3A_144 = arith.select %eq3A_141, %iota3A, %broadcast_in_dim3A_143 : vector<80x5000xi1>, vector<80x5000xi32>
    %reduce_min3A_145 = arith.constant dense<2147483647> : vector<80xi32>
    %reduce_min3A_146 = vector.multi_reduction <minsi>, %select_n3A_144, %reduce_min3A_145 [1] : vector<80x5000xi32> to vector<80xi32>
    %broadcast_in_dim3A_147 = vector.shape_cast %reduce_min3A_146 : vector<80xi32> to vector<80x1xi32>
    %eq3A_148 = vector.broadcast %broadcast_in_dim3A_147 : vector<80x1xi32> to vector<80x5000xi32>
    %eq3A_149 = arith.cmpi eq, %iota3A, %eq3A_148 : vector<80x5000xi32>
    %jit3A_150 = arith.constant 0x7F800000 : f32
    %broadcast_in_dim3A_151 = vector.broadcast %jit3A_150 : f32 to vector<80x5000xf32>
    %select_n3A_152 = arith.select %eq3A_149, %broadcast_in_dim3A_151, %select_n3A_136 : vector<80x5000xi1>, vector<80x5000xf32>
    %reduce_min3A_153 = arith.constant dense<0x7F800000> : vector<80xf32>
    %reduce_min3A_154 = vector.multi_reduction <minimumf>, %select_n3A_152, %reduce_min3A_153 [1] : vector<80x5000xf32> to vector<80xf32>
    %broadcast_in_dim3A_155 = vector.shape_cast %reduce_min3A_154 : vector<80xf32> to vector<80x1xf32>
    %eq3A_156 = vector.broadcast %broadcast_in_dim3A_155 : vector<80x1xf32> to vector<80x5000xf32>
    %eq3A_157 = arith.cmpf oeq, %select_n3A_152, %eq3A_156 : vector<80x5000xf32>
    %jit3A_158 = arith.constant 1073741824 : i32
    %broadcast_in_dim3A_159 = vector.broadcast %jit3A_158 : i32 to vector<80x5000xi32>
    %select_n3A_160 = arith.select %eq3A_157, %iota3A, %broadcast_in_dim3A_159 : vector<80x5000xi1>, vector<80x5000xi32>
    %reduce_min3A_161 = arith.constant dense<2147483647> : vector<80xi32>
    %reduce_min3A_162 = vector.multi_reduction <minsi>, %select_n3A_160, %reduce_min3A_161 [1] : vector<80x5000xi32> to vector<80xi32>
    %broadcast_in_dim3A_163 = vector.shape_cast %reduce_min3A_162 : vector<80xi32> to vector<80x1xi32>
    %concatenate3A = tpu.concatenate %broadcast_in_dim3A_99, %broadcast_in_dim3A_115, %broadcast_in_dim3A_131, %broadcast_in_dim3A_147, %broadcast_in_dim3A_163 in 1 : vector<80x1xi32>, vector<80x1xi32>, vector<80x1xi32>, vector<80x1xi32>, vector<80x1xi32> -> vector<80x5xi32>
    %swap3A = arith.constant 0 : index
    %swap3A_164 = arith.constant 0 : index
    %swap3A_165 = arith.constant 0 : index
    %swap3A_166 = vector.load %arg3[%swap3A, %swap3A_164, %swap3A_165] : memref<1x80x5xi32, #tpu.memory_space<vmem>>, vector<1x80x5xi32>
    %swap3A_167 = vector.shape_cast %swap3A_166 : vector<1x80x5xi32> to vector<80x5xi32>
    %swap3A_168 = vector.shape_cast %concatenate3A : vector<80x5xi32> to vector<1x80x5xi32>
    tpu.vector_store %arg3[%swap3A, %swap3A_164, %swap3A_165], %swap3A_168 {strides = array<i32>} : memref<1x80x5xi32, #tpu.memory_space<vmem>>, vector<1x80x5xi32>,
    return
  }
  func.func @transform_0(%arg0: i32) -> (i32, i32, i32) {
    %c0_i32 = arith.constant 0 : i32
    %c0_i32_0 = arith.constant 0 : i32
    %c0_i32_1 = arith.constant 0 : i32
    return %arg0, %c0_i32, %c0_i32_0 : i32, i32, i32
  }
  func.func @transform_1(%arg0: i32) -> (i32, i32, i32) {
    %c0_i32 = arith.constant 0 : i32
    %c0_i32_0 = arith.constant 0 : i32
    %c0_i32_1 = arith.constant 0 : i32
    return %arg0, %c0_i32, %c0_i32_0 : i32, i32, i32
  }
  func.func @transform_2(%arg0: i32) -> (i32, i32, i32) {
    %c0_i32 = arith.constant 0 : i32
    %c0_i32_0 = arith.constant 0 : i32
    %c0_i32_1 = arith.constant 0 : i32
    return %arg0, %c0_i32, %c0_i32_0 : i32, i32, i32
  }
}

</mosaic_0001>

<sc_bundles>
// kernel: kernel.4.cloned.1.call-start
scs
__scs_entry_jumppad:
0x0: {  	(pc) =	sbr.rel $0x88, $3  }
0x1: {  	(tag) =	ssettag $0x0;
	lr =	simm.s32 $0x1  }
0x2: {  	[smem:$0x3F9F] =	sst lr;
	_ =	strace $0xD0000000  }
0x3: {  	_ = 	snop  }
0x4: {  	_ = 	snop  }
0x5: {  	_ = 	snop  }
0x6: {  	_ = 	snop  }
0x7: {  	_ = 	snop  }
__scs_overlays_trampoline_lowered:
0x8: {  	[smem:$0x3FAE] =	sst s0  }
0x9: {  	[smem:$0x3FAF] =	sst s1  }
0xa: {  	[smem:$0x3FB0] =	sst s2  }
0xb: {  	[smem:$0x3FB1] =	sst s3  }
0xc: {  	[smem:$0x3FB2] =	sst s4  }
0xd: {  	[smem:$0x3FB3] =	sst s5  }
0xe: {  	[smem:$0x3FB4] =	sst s6  }
0xf: {  	[smem:$0x3FB5] =	sst s7  }
0x10: {  	[smem:$0x3FB6] =	sst s8  }
0x11: {  	[smem:$0x3FB7] =	sst s9;
	s0 =	simm.s32 @!p0 $0x0  }
0x12: {  	s1 =	sld [smem:$0x3F9D];
	s0 =	simm.s32 @p0 $0x1  }
0x13: {  	[smem:$0x3FB8] =	sst s0;
	s0 =	simm.s32 @!p1 $0x0  }
0x14: {  	s2 =	sld [smem:$0x3F9C];
	s0 =	simm.s32 @p1 $0x1  }
0x15: {  	[smem:$0x3FB9] =	sst s0;
	s0 =	simm.s32 @!p2 $0x0  }
0x16: {  	s3 =	sld [smem:$0x3FDB];
	s0 =	simm.s32 @p2 $0x1  }
0x17: {  	s4 =	simm.s32 $0x1BF5;
	[smem:$0x3FBB] =	sst s0  }
0x18: {  	s0 =	sld [smem:$0x3F9E];
	_ =	swait.ge [sflag:s4], $0x0  }
0x19: {  	s7 =	sld [smem:$0x3F9F]  }
0x1a: {  	s8 =	sadd.s32 $0xFFFFE003, lr  }
0x1b: {  	s9 =	sadd.s32 $0xFFFFFEF7, lr;
	s5 =	simm.s32 $0xFFFFFFFF;
	p2 =	slt.u32 s8, $0xFFFFF086  }
0x1c: {  	p1 =	slt.u32 s9, $0xF7A;
	s5 =	simm.s32 @!p2 $0x0  }
0x1d: {  	s5 =	simm.s32 @p1 $0x1;
	p0 =	seq.s32 s7, s2  }
0x1e: {  	s7 =	smul.u32 @!p0 $0xF7A, s2;
	p2 =	seq.s32 @!p0 s5, $0x0  }
0x1f: {  	s9 =	smul.u32 $0xF7A, s1;
	s8 =	simm.s32 @!p0 $0x1BF5;
	p2 =	por !p2, p0  }
0x20: {  	[sflag:s8] =	ssyncset.s32 @!p0 $0xFFFFF086;
	s6 =	sadd.s32 @!p0 s3, s7;
	s7 =	simm.s32 @!p0 $0x108  }
0x21: {  	s3 =	sadd.s32 s3, s9;
	s6 =	sadd.s32 @!p0 $0x88, s6;
	s7 =	simm.s32 @p2 $0x1082  }
0x22: {  	[simem:s7], [sflag:s8] =	dma.local @!p0 [hbm:s6], $0xF7A  }
0x23: {  	s9 =	sor.u32 $0xD0000000, s2;
	s6 =	simm.s32 $0x108;
	_ =	swait.ge @!p0 [sflag:s8], $0x0  }
0x24: {  	s3 =	sadd.s32 $0x88, s3;
	s6 =	simm.s32 @!p1 $0x1082;
	[sflag:s4] =	ssyncset.s32 $0xFFFFF086  }
0x25: {  	[simem:s6], [sflag:s4] =	dma.local [hbm:s3], $0xF7A  }
0x26: {  	[smem:$0x3F9F] =	sst s1;
	(tag) =	ssettag s2;
	_ =	strace s9  }
0x27: {  	s1 =	sld [smem:$0x3FAF]  }
0x28: {  	s2 =	sld [smem:$0x3FB0]  }
0x29: {  	s4 =	sld [smem:$0x3FB2]  }
0x2a: {  	p0 =	seq.s32 s5, $0x0;
	s5 =	sld [smem:$0x3FB3]  }
0x2b: {  	s6 =	sld [smem:$0x3FB4]  }
0x2c: {  	s7 =	sld [smem:$0x3FB5]  }
0x2d: {  	s3 =	simm.s32 $0x108;
	s8 =	sld [smem:$0x3FB6]  }
0x2e: {  	s3 =	simm.s32 @!p0 $0x1082;
	s9 =	sld [smem:$0x3FB7]  }
0x2f: {  	lr =	sadd.s32 s0, s3;
	s0 =	sld [smem:$0x3FAE]  }
0x30: {  	s3 =	sld [smem:$0x3FB1]  }
0x31: {  	[smem:$0x3FBA] =	sst s10  }
0x32: {  	s10 =	sld [smem:$0x3FB8];
	_ =	sdelay $0x3  }
0x33: {  	p0 =	seq.s32 s10, $0x1;
	s10 =	sld [smem:$0x3FBA];
	_ =	sdelay $0x3  }
0x34: {  	[smem:$0x3FBA] =	sst s10  }
0x35: {  	s10 =	sld [smem:$0x3FB9];
	_ =	sdelay $0x3  }
0x36: {  	p1 =	seq.s32 s10, $0x1;
	s10 =	sld [smem:$0x3FBA];
	_ =	sdelay $0x3  }
0x37: {  	[smem:$0x3FBA] =	sst s10  }
0x38: {  	s10 =	sld [smem:$0x3FBB]  }
0x39: {  	_ = 	snop;
	(pc) =	sbr.ind lr, $3  }
0x3a: {  	_ = 	snop  }
0x3b: {  	_ = 	snop  }
0x3c: {  	p2 =	seq.s32 s10, $0x1;
	s10 =	sld [smem:$0x3FBA]  }
0x3d: {  	_ =	shalt  }
0x3e: {  	_ =	shalt  }
0x3f: {  	_ =	shalt  }
0x40: {  	_ =	shalt  }
0x41: {  	_ =	shalt  }
0x42: {  	_ =	shalt  }
0x43: {  	_ =	shalt  }
0x44: {  	_ =	shalt  }
0x45: {  	_ =	shalt  }
0x46: {  	_ =	shalt  }
0x47: {  	_ =	shalt  }
0x48: {  	_ =	shalt  }
0x49: {  	_ =	shalt  }
0x4a: {  	_ =	shalt  }
0x4b: {  	_ =	shalt  }
0x4c: {  	_ =	shalt  }
0x4d: {  	_ =	shalt  }
0x4e: {  	_ =	shalt  }
0x4f: {  	_ =	shalt  }
0x50: {  	_ =	shalt  }
0x51: {  	_ =	shalt  }
0x52: {  	_ =	shalt  }
0x53: {  	_ =	shalt  }
0x54: {  	_ =	shalt  }
0x55: {  	_ =	shalt  }
0x56: {  	_ =	shalt  }
0x57: {  	_ =	shalt  }
0x58: {  	_ =	shalt  }
0x59: {  	_ =	shalt  }
0x5a: {  	_ =	shalt  }
0x5b: {  	_ =	shalt  }
0x5c: {  	_ =	shalt  }
0x5d: {  	_ =	shalt  }
0x5e: {  	_ =	shalt  }
0x5f: {  	_ =	shalt  }
0x60: {  	_ =	shalt  }
0x61: {  	_ =	shalt  }
0x62: {  	_ =	shalt  }
0x63: {  	_ =	shalt  }
0x64: {  	_ =	shalt  }
0x65: {  	_ =	shalt  }
0x66: {  	_ =	shalt  }
0x67: {  	_ =	shalt  }
0x68: {  	_ =	shalt  }
0x69: {  	_ =	shalt  }
0x6a: {  	_ =	shalt  }
0x6b: {  	_ =	shalt  }
0x6c: {  	_ =	shalt  }
0x6d: {  	_ =	shalt  }
0x6e: {  	_ =	shalt  }
0x6f: {  	_ =	shalt  }
0x70: {  	_ =	shalt  }
0x71: {  	_ =	shalt  }
0x72: {  	_ =	shalt  }
0x73: {  	_ =	shalt  }
0x74: {  	_ =	shalt  }
0x75: {  	_ =	shalt  }
0x76: {  	_ =	shalt  }
0x77: {  	_ =	shalt  }
0x78: {  	_ =	shalt  }
0x79: {  	_ =	shalt  }
0x7a: {  	_ =	shalt  }
0x7b: {  	_ =	shalt  }
0x7c: {  	_ =	shalt  }
0x7d: {  	_ =	shalt  }
0x7e: {  	_ =	shalt  }
0x7f: {  	_ =	shalt  }
0x80: {  	_ =	shalt  }
0x81: {  	_ =	shalt  }
0x82: {  	_ =	shalt  }
0x83: {  	_ =	shalt  }
0x84: {  	_ =	shalt  }
0x85: {  	_ =	shalt  }
0x86: {  	_ =	shalt  }
0x87: {  	_ =	shalt  }
.Lfunc_end0:
.L_simem_size_0:
called_computation_lowered:
.L_overlay_start_0:
0x88: {  	s2 =	sld [smem:$0x3FD9]  }
0x89: {  	s3 =	sld [smem:$0x3FFE];
	_ =	sdelay $0x1  }
0x8a: {  	s1 =	srdreg.scid  }
0x8b: {  	s0 =	sand.u32 $0x1, s1  }
0x8c: {  	s14 =	sshll.u32 s0, $0xA;
	s2 =	sadd.s32 s3, s2  }
0x8d: {  	s2 =	sadd.s32 s2, s14  }
0x8e: {  	[smem:$0x3FC6] =	sst s2  }
0x8f: {  	_ = 	snop  }
0x90: {  	s2 =	sld [smem:$0x3FD0];
	_ =	sdelay $0x2  }
0x91: {  	s15 =	simm.s32 $0xA;
	s4 =	simm.s32 $0x10  }
0x92: {  	[smem:s4], [sflag:s15] =	dma.local [hbm:s2], $0x1  }
0x93: {  	_ =	swait.eq [sflag:s15], $0x1  }
0x94: {  	[sflag:s15] =	ssyncset.done $0x0  }
0x95: {  	s16 =	sld [smem:$0x10];
	[sflag:s15] =	ssyncadd.s32 $0xFFFFFFFF  }
0x96: {  	s17 =	sld [smem:$0x11];
	(tm) =	ssettm $0x1  }
0x97: {  	s18 =	sld [smem:$0x3FFB];
	_ =	sdelay $0x3  }
0x98: {  	_ =	strace s18  }
0x99: {  	s4 =	sld [smem:$0x3FFC];
	_ =	sdelay $0x3  }
0x9a: {  	_ =	strace s4  }
0x9b: {  	s4 =	sld [smem:$0x3FFD];
	_ =	sdelay $0x3  }
0x9c: {  	_ =	strace s4  }
0x9d: {  	_ =	strace $0x8FFFFFFF  }
0x9e: {  	s19 =	sld [smem:$0x3FDB];
	_ =	sdelay $0x1  }
0x9f: {  	s5 =	simm.s32 $_scs_section_size  }
0xa0: {  	s6 =	simm.s32 $_size__tile_overlayer_lowered;
	s7 =	simm.s32 $_tile_overlayer_lowered  }
0xa1: {  	s22 =	simm.s32 $0x1BFF;
	s21 =	sshll.u32 s7, $0x1;
	s4 =	sadd.s32 s5, s19  }
0xa2: {  	s8 =	simm.s32 $0x0;
	s20 =	sshll.u32 s6, $0x1;
	s6 =	sadd.s32 s21, s4  }
0xa3: {  	[timem:s8], [sflag:s22] =	dma.local [hbm:s6], s20  }
0xa4: {  	_ =	swait.ge [sflag:s22], s20  }
0xa5: {  	s5 =	ssub.s32 $0x0, s20;
	[sflag:s22] =	ssyncset.done $0x0  }
0xa6: {  	[sflag:s22] =	ssyncadd.s32 s5;
	_ =	sdelay $0x1  }
0xa7: {  	s23 =	simm.s32 $0x1B8B  }
0xa8: {  	_ =	swait.ge [sflag:s23], $0x1  }
0xa9: {  	[sflag:s23] =	ssyncset.done $0x0  }
0xaa: {  	s25 =	simm.s32 $0x1B8E;
	s24 =	sld [smem:$0x3FFE];
	[sflag:s23] =	ssyncadd.s32 $0xFFFFFFFF  }
0xab: {  	s26 =	simm.s32 $execute0_lowered;
	[smem:$0x3FD2] =	sst s25  }
0xac: {  	s6 =	sshll.u32 s26, $0x1;
	_ =	strace $0x80000046;
	[dreg:$0x1] =	wrdreg $0xFFFFFFFF  }
0xad: {  	s28 =	simm.s32 $_size_execute0_lowered;
	s4 =	sadd.s32 s4, s6;
	[dreg:$0x0] =	wrdreg $0x0  }
0xae: {  	s6 =	sshll.u32 s28, $0x1;
	[dreg:$0x2] =	wrdreg s4  }
0xaf: {  	[dreg:$0x3] =	wrdreg s6  }
0xb0: {  	[dreg:$0x4] =	wrdreg $0xC0  }
0xb1: {  	_ =	task [dreg:s8], $0x5FFFF  }
0xb2: {  	[dreg:$0x1] =	wrdreg $0xFFFFFFFF  }
0xb3: {  	[dreg:$0x0] =	wrdreg $0x60  }
0xb4: {  	[dreg:$0x2] =	wrdreg s24  }
0xb5: {  	[dreg:$0x3] =	wrdreg s17  }
0xb6: {  	[dreg:$0x4] =	wrdreg s16  }
0xb7: {  	[dreg:$0x5] =	wrdreg $0x9  }
0xb8: {  	_ =	task.clear_ibuf [dreg:s8], $0x6FFFF;
	_ =	strace $0x90000046  }
0xb9: {  	s29 =	simm.s32 $0x9;
	_ =	strace $0x80000048  }
0xba: {  	_ =	swait.ge [sflag:s29], $0x1  }
0xbb: {  	[sflag:s29] =	ssyncadd.s32 $0xFFFFFFFF  }
0xbc: {  	_ =	strace $0x90000048  }
0xbd: {  	_ =	sfence  }
0xbe: {  	s30 =	sld [smem:$0x0];
	_ =	sdelay $0x2  }
0xbf: {  	s31 =	sshll.u32 s1, $0xD;
	s1 =	sshrl.u32 s1, $0x2  }
0xc0: {  	s3 =	sand.u32 $0x4000, s31;
	s1 =	sadd.s32 s1, s30  }
0xc1: {  	s0 =	sor.u32 s3, s0;
	s1 =	sshll.u32 s1, $0x11  }
0xc2: {  	s0 =	sor.u32 s1, s0  }
0xc3: {  	s0 =	sadd.s32 $0x8F2B, s0  }
0xc4: {  	[sflag:s0] =	ssyncadd.remote.s32 $0x1  }
0xc5: {  	_ =	sfence.sel $0xFFFF  }
0xc6: {  	[dreg:$0x0] =	wrdreg $0xFFFFFFFF;
	(pc) =	sbr.abs _section_cstart, $3  }
0xc7: {  	[dreg:$0x1] =	wrdreg $0xFFFFFFFF  }
0xc8: {  	_ =	task.clear_ibuf [dreg:s8], $0x2FFFF;
	_ =	strace $0x9FFFFFFF  }
0xc9: {  	(tm) =	ssettm $0x7FFFFFFF  }
tec
execute0_lowered:
.L_overlay_start_1:
0x0: {  	(tag) =	ssettag $0x1  }
0x1: {  	s0 =	rddreg [dreg:$0x0]  }
0x2: {  	s1 =	rddreg [dreg:$0x1]  }
0x3: {  	s12 =	rddreg [dreg:$0x2]  }
0x4: {  	s2 =	simm.s32 $0x0;
	s7 =	stileid.u32;
	s3 =	srdreg.scid  }
0x5: {  	s15 =	simm.s32 $0x200;
	s16 =	simm.s32 $0x1;
	s19 =	simm.s32 $0x3C00  }
0x6: {  	s20 =	simm.s32 $0x6400;
	s21 =	simm.s32 $0x6480;
	s22 =	simm.s32 $0x6500  }
0x7: {  	s23 =	simm.s32 $0x6580;
	s24 =	simm.s32 $0x8E00;
	s28 =	simm.s32 $0x8E80  }
0x8: {  	s29 =	simm.s32 $0x8F00;
	s30 =	simm.s32 $0x0;
	s18 =	simm.s32 $0x0  }
0x9: {  	[smem:$0x7FF] =	sst s2;
	s5 =	sshrl.u32 s7, $0x1;
	s3 =	sand.u32 $0x1, s3  }
0xa: {  	s7 =	sshll.u32 s7, $0x1;
	s4 =	smul.u32 $0xA00, s5;
	s6 =	ssub.s32 $0x2, s3  }
0xb: {  	v0 =	vimm.s32 $0x43210;
	_ =	strace $0x80000047;
	s13 =	sor.u32 s3, s7;
	s25 =	sshll.u32 s5, $0x6  }
0xc: {  	v0 =	vunpack.c.l.s4.s8 v0;
	s8 =	sshrl.u32 s6, $0x1;
	s7 =	sand.u32 $0x3, s13;
	s31 =	sshll.u32 s13, $0x4  }
0xd: {  	v1 =	vimm.s32 $0x12111013;
	s0 =	sadd.s32 s4, s0;
	s14 =	ssub.s32 s6, s8;
	s26 =	smul.u32 $0x5, s7  }
.Ltmp0:
0xe: {  	v2 =	vimm.s32 $0x16151417;
	v1 =	vunpack.c.0.s8.s32 v1;
	v0 =	vunpack.c.0.s8.s32 v0;
	s6 =	sadd.s32 s1, s25;
	s12 =	sadd.s32 s12, s31;
	(pc) =	sbr.rel .LBB2_1-.Ltmp0, $4  }
0xf: {  	vm0 =	vcmask $0x2314;
	v3 =	vimm.s32 $0x1A191800;
	v2 =	vunpack.c.0.s8.s32 v2;
	s25 =	simm.s32 $0x7A00;
	s3 =	sadd.s32 $0x800, s0;
	s4 =	sadd.s32 $0x810, s0  }
0x10: {  	vm14 =	vcmask $0x3324;
	v3 =	vunpack.c.0.s8.s32 v3;
	s5 =	sadd.s32 $0x820, s0;
	s7 =	sadd.s32 $0x830, s0;
	s8 =	sadd.s32 $0x10, s6;
	v1 =	vsel vm0, v1, v0  }
0x11: {  	vm15 =	vcmask $0x3F34;
	s9 =	sadd.s32 $0x20, s6;
	s10 =	sadd.s32 $0x30, s6;
	s13 =	smax.u32 s14, $0x1;
	v0 =	vlaneseq.u32;
	v4 =	vsel vm14, v2, v1  }
0x12: {  	s14 =	simm.s32 $0x80;
	s11 =	sor.u32 $0x50, s26;
	s26 =	simm.s32 $0x6600;
	v1 =	vimm.s32 $0x4;
	v2 =	vimm.s32 $0x0;
	v3 =	vsel vm15, v3, v4  }
.LBB2_15:
0x13: {  	s30 =	sadd.s32 $0x1, s30  }
0x14: {  	p0 =	sne.s32 s30, s13  }
.Ltmp1:
0x15: {  	_ = 	snop;
	(pc) =	sbr.rel @!p0 .LBB2_16-.Ltmp1, $4  }
0x16: {  	[hbm4b:s12+s2] =	stream.linear.scatter [tilespmem:s29], [sflag:$0x1], $0x80, $0x38;
	[tilespmem:$0x8F80] =	vst v63  }
0x17: {  	_ =	swait.ge [sflag:s16], $0x80  }
0x18: {  	[sflag:s16] =	ssyncset.done $0x0  }
0x19: {  	[sflag:s16] =	ssyncadd.s32 $0xFFFFFF80  }
.LBB2_1:
0x1a: {  	[tilespmem:s2], [sflag:$0x1] =	stream.strided.gather [hbm4b:s3+s14], $0x1400, s15, s14, $0x38;
	[tilespmem:$0x8F80] =	vst v63  }
0x1b: {  	_ =	swait.ge [sflag:s16], $0x1400  }
0x1c: {  	[sflag:s16] =	ssyncset.done $0x0  }
0x1d: {  	s0 =	simm.s32 $0x1400;
	[sflag:s16] =	ssyncadd.s32 $0xFFFFEC00  }
0x1e: {  	[tilespmem:s0], [sflag:$0x1] =	stream.strided.gather [hbm4b:s4+s14], $0x1400, s15, s14, $0x38;
	[tilespmem:$0x8F80] =	vst v63  }
0x1f: {  	_ =	swait.ge [sflag:s16], $0x1400  }
0x20: {  	[sflag:s16] =	ssyncset.done $0x0  }
0x21: {  	s31 =	simm.s32 $0x2800;
	[sflag:s16] =	ssyncadd.s32 $0xFFFFEC00  }
0x22: {  	[tilespmem:s31], [sflag:$0x1] =	stream.strided.gather [hbm4b:s5+s14], $0x1400, s15, s14, $0x38;
	[tilespmem:$0x8F80] =	vst v63  }
0x23: {  	_ =	swait.ge [sflag:s16], $0x1400  }
0x24: {  	[sflag:s16] =	ssyncset.done $0x0  }
0x25: {  	[sflag:s16] =	ssyncadd.s32 $0xFFFFEC00  }
0x26: {  	[tilespmem:s19], [sflag:$0x1] =	stream.strided.gather [hbm4b:s7+s14], $0x1400, s15, s14, $0x38;
	[tilespmem:$0x8F80] =	vst v63  }
0x27: {  	_ =	swait.ge [sflag:s16], $0x1400  }
0x28: {  	[sflag:s16] =	ssyncset.done $0x0  }
0x29: {  	[sflag:s16] =	ssyncadd.s32 $0xFFFFEC00  }
0x2a: {  	[tilespmem:s20], [sflag:$0x1] =	stream.linear.gather [hbm4b:s6+s2], $0x80, $0x38;
	[tilespmem:$0x8F80] =	vst v63  }
0x2b: {  	_ =	swait.ge [sflag:s16], $0x80  }
0x2c: {  	[sflag:s16] =	ssyncset.done $0x0  }
0x2d: {  	[sflag:s16] =	ssyncadd.s32 $0xFFFFFF80  }
0x2e: {  	[tilespmem:s21], [sflag:$0x1] =	stream.linear.gather [hbm4b:s8+s2], $0x80, $0x38;
	[tilespmem:$0x8F80] =	vst v63  }
0x2f: {  	_ =	swait.ge [sflag:s16], $0x80  }
0x30: {  	[sflag:s16] =	ssyncset.done $0x0  }
0x31: {  	[sflag:s16] =	ssyncadd.s32 $0xFFFFFF80  }
0x32: {  	[tilespmem:s22], [sflag:$0x1] =	stream.linear.gather [hbm4b:s9+s2], $0x80, $0x38;
	[tilespmem:$0x8F80] =	vst v63  }
0x33: {  	_ =	swait.ge [sflag:s16], $0x80  }
0x34: {  	[sflag:s16] =	ssyncset.done $0x0  }
0x35: {  	[sflag:s16] =	ssyncadd.s32 $0xFFFFFF80  }
0x36: {  	[tilespmem:s23], [sflag:$0x1] =	stream.linear.gather [hbm4b:s10+s2], $0x80, $0x38;
	[tilespmem:$0x8F80] =	vst v63  }
0x37: {  	_ =	swait.ge [sflag:s16], $0x80  }
0x38: {  	[sflag:s16] =	ssyncset.done $0x0  }
0x39: {  	s0 =	simm.s32 $0x0;
	[sflag:s16] =	ssyncadd.s32 $0xFFFFFF80  }
0x3a: {  	v6 =	vld [tilespmem:s0+$0x2800]  }
0x3b: {  	v7 =	vld [tilespmem:s0+$0x0]  }
0x3c: {  	v8 =	vld [tilespmem:s0+$0x3C00]  }
0x3d: {  	v9 =	vld [tilespmem:s0+$0x1400];
	_ =	sdelay $0x1  }
0x3e: {  	s1 =	simm.s32 $0x10  }
0x3f: {  	v4 =	vld [tilespmem:s1+$0x2800]  }
0x40: {  	v5 =	vld [tilespmem:s1+$0x0]  }
0x41: {  	v10 =	vsub.f32 v6, v7;
	v8 =	vsub.f32 v8, v9;
	v6 =	vld [tilespmem:s1+$0x3C00]  }
0x42: {  	v7 =	vld [tilespmem:s1+$0x1400]  }
0x43: {  	s17 =	simm.s32 $0x80;
	v8 =	vmul.f32 v8, v10  }
.LBB2_2:
0x44: {  	s31 =	sshra.s32 s17, $0x2;
	v9 =	vmov v4;
	p0 =	sne.s32 s17, $0x4EC0  }
.Ltmp2:
0x45: {  	v4 =	vld [tilespmem:s31+$0x2800];
	[tilespmem:s0+$0x5000] =	vst v8;
	v8 =	vmov v5;
	s0 =	smov.u32 s1;
	(pc) =	sbr.rel @p0 .LBB2_2-.Ltmp2, $4  }
0x46: {  	s1 =	smov.u32 s31;
	v5 =	vld [tilespmem:s31+$0x0]  }
0x47: {  	s17 =	sadd.s32 $0x40, s17;
	v8 =	vsub.f32 v9, v8;
	v9 =	vsub.f32 v6, v7;
	v6 =	vld [tilespmem:s1+$0x3C00]  }
0x48: {  	v7 =	vld [tilespmem:s1+$0x1400]  }
0x49: {  	v8 =	vmul.f32 v9, v8  }
0x4a: {  	_ =	sdelay $0x2  }
.Ltmp3:
0x4b: {  	v4 =	vsub.f32 v4, v5;
	v5 =	vsub.f32 v6, v7;
	(pc) =	sbr.rel .LBB2_4-.Ltmp3, $4  }
0x4c: {  	_ = 	snop  }
0x4d: {  	v4 =	vmul.f32 v5, v4  }
0x4e: {  	[tilespmem:s0+$0x5000] =	vst v8  }
0x4f: {  	s31 =	simm.s32 $0x0;
	[tilespmem:s1+$0x5000] =	vst v4  }
.LBB2_10:
0x50: {  	_ = 	snop  }
.LBB2_13:
0x51: {  	vm0 =	vlt.s32 v10, v4  }
0x52: {  	v4 =	vnsel vm0, $0x0, v7;
	_ =	sdelay $0x4  }
0x53: {  	v7 =	vld.idx.msk [tilespmem:v4+s26+$0x0], $0xffff  }
0x54: {  	(xrf1) =	vsort.ascd.msk.f32 @p0 $0xffff, v8, v9;
	_ =	sdelay $0x3  }
0x55: {  	v7 =	vnsel vm0, $0x7F800000, v7  }
0x56: {  	(xrf1) =	vsort.ascd.msk.f32 $0xffff, v7, v4;
	_ =	sdelay $0x8  }
0x57: {  	v4, v7, _ =	vpop @p0 (xrf1)  }
0x58: {  	v5 =	vpsel p0, v7, v5  }
0x59: {  	v4 =	vpsel p0, v4, v6;
	_ =	sdelay $0x1  }
0x5a: {  	[tilespmem:$0x8E80] =	vst v5  }
0x5b: {  	[tilespmem:$0x8E00] =	vst v4;
	v4, v5, _ =	vpop (xrf1)  }
0x5c: {  	[tilespmem:$0x8E10] =	vst v4  }
0x5d: {  	[tilespmem:$0x8E90] =	vst v5  }
0x5e: {  	v4 =	vld.idx.msk [tilespmem:v3+s24+$0x0], $0xffff  }
0x5f: {  	v5 =	vld.idx.msk [tilespmem:v3+s28+$0x0], $0xffff;
	_ =	sdelay $0x4  }
0x60: {  	(xrf1) =	vsort.ascd.msk.f32 $0xffff, v4, v5;
	_ =	sdelay $0xd  }
0x61: {  	v4, v5, _ =	vpop (xrf1)  }
.LBB2_14:
0x62: {  	s0 =	smul.u32 $0x5, s31  }
0x63: {  	s31 =	sadd.s32 $0x1, s31  }
0x64: {  	p0 =	sne.s32 s31, $0x5;
	v4 =	vadd.s32 s0, v0  }
.Ltmp4:
0x65: {  	_ = 	snop;
	(pc) =	sbr.rel @!p0 .LBB2_15-.Ltmp4, $2  }
0x66: {  	_ =	sdelay $0x2  }
0x67: {  	[tilespmem:v4+s29+$0x0] =	vst.idx.msk $0x1f, v5  }
.LBB2_4:
0x68: {  	s0 =	sadd.s32 s31, s11  }
0x69: {  	v4 =	vmov s0;
	s0 =	simm.s32 $0x0  }
0x6a: {  	v13 =	vld [tilespmem:s0+$0x2800]  }
0x6b: {  	v15 =	vld [tilespmem:s0+$0x1430]  }
0x6c: {  	v16 =	vld [tilespmem:s0+$0x30]  }
0x6d: {  	v17 =	vld [tilespmem:s0+$0x0]  }
0x6e: {  	v18 =	vld [tilespmem:s0+$0x1410]  }
0x6f: {  	v20 =	vld [tilespmem:s0+$0x10]  }
0x70: {  	v6 =	vld.idx.msk [tilespmem:v4+s20+$0x0], $0xffff  }
0x71: {  	v7 =	vld.idx.msk [tilespmem:v4+s21+$0x0], $0xffff  }
0x72: {  	v8 =	vld.idx.msk [tilespmem:v4+s22+$0x0], $0xffff  }
0x73: {  	v5 =	vld.idx.msk [tilespmem:v4+s23+$0x0], $0xffff  }
0x74: {  	v21 =	vld [tilespmem:s0+$0x1400]  }
0x75: {  	v19 =	vld [tilespmem:s0+$0x2820]  }
0x76: {  	v25 =	vld [tilespmem:s0+$0x1420]  }
0x77: {  	v29 =	vld [tilespmem:s0+$0x2810]  }
0x78: {  	v33 =	vld [tilespmem:s0+$0x3C10];
	v4 =	vsub.f32 v8, v6;
	v9 =	vsub.f32 v5, v7  }
0x79: {  	v37 =	vld [tilespmem:s0+$0x3C00];
	v10 =	vsub.f32 v13, v8;
	v22 =	vmax.f32 v13, v8;
	v23 =	vmin.f32 v13, v8  }
0x7a: {  	v41 =	vld [tilespmem:s0+$0x2830];
	v26 =	vmax.f32 v15, v7;
	v27 =	vmin.f32 v15, v7;
	v28 =	vmin.f32 v17, v6  }
0x7b: {  	v42 =	vld [tilespmem:s0+$0x20];
	v30 =	vmax.f32 v16, v6;
	v31 =	vsub.f32 v18, v7;
	v32 =	vmax.f32 v18, v7  }
0x7c: {  	v18 =	vmin.f32 v18, v7;
	v34 =	vsub.f32 v17, v6;
	v17 =	vmax.f32 v17, v6  }
0x7d: {  	v36 =	vmax.f32 v20, v6;
	v13 =	vsub.f32 v15, v7;
	v15 =	vmin.f32 v16, v6  }
0x7e: {  	v39 =	vsub.f32 v25, v7;
	v40 =	vmin.f32 v29, v8;
	v43 =	vmax.f32 v19, v8  }
0x7f: {  	v44 =	vmin.f32 v33, v5;
	v45 =	vmax.f32 v37, v5;
	v62 =	vmin.f32 v20, v6  }
0x80: {  	v11 =	vld [tilespmem:s0+$0x5010];
	v48 =	vmax.f32 v21, v7;
	v49 =	vmax.f32 v41, v8;
	v51 =	vmax.f32 v42, v6  }
0x81: {  	v63 =	vmin.f32 v41, v8;
	v52 =	vmin.f32 v21, v7;
	v16 =	vsub.f32 v16, v6  }
0x82: {  	v12 =	vld [tilespmem:s0+$0x5020];
	v53 =	vmin.f32 v37, v5;
	v22 =	vsub.f32 v22, v28;
	v28 =	vsub.f32 v19, v8  }
0x83: {  	v32 =	vsub.f32 v44, v32;
	v17 =	vsub.f32 v23, v17;
	v9 =	vmul.f32 v9, v4  }
0x84: {  	v14 =	vld [tilespmem:s0+$0x5030];
	v56 =	vmin.f32 v42, v6;
	v30 =	vsub.f32 v63, v30;
	v15 =	vsub.f32 v49, v15  }
0x85: {  	v57 =	vmax.f32 v33, v5;
	v48 =	vsub.f32 v53, v48;
	v24 =	vadd.f32 v11, v9;
	v11 =	vld [tilespmem:s0+$0x3C20]  }
0x86: {  	v19 =	vmin.f32 v19, v8;
	v45 =	vsub.f32 v45, v52;
	v36 =	vsub.f32 v40, v36  }
0x87: {  	v43 =	vsub.f32 v43, v56;
	v4 =	vimm.f32 $+Inf;
	v35 =	vadd.f32 v12, v9;
	v12 =	vld [tilespmem:s0+$0x3C30]  }
0x88: {  	v38 =	vand.u32 $0x7FFFFFFF, v31;
	v19 =	vsub.f32 v19, v51;
	v32 =	vmax.f32 v32, $0.0e+00  }
0x89: {  	v17 =	vmax.f32 v17, $0.0e+00;
	v30 =	vmax.f32 v30, $0.0e+00;
	v22 =	vmul.f32 v45, v22  }
0x8a: {  	v31 =	vadd.f32 v14, v9;
	v14 =	vmax.f32 v25, v7;
	v46 =	vmin.f32 v11, v5  }
0x8b: {  	v58 =	vld [tilespmem:s0+$0x5000];
	v36 =	vmax.f32 v36, $0.0e+00;
	v25 =	vmin.f32 v25, v7;
	v14 =	vsub.f32 v46, v14  }
0x8c: {  	v23 =	vmax.f32 v11, v5;
	v47 =	vmin.f32 v12, v5;
	v50 =	vmax.f32 v12, v5  }
0x8d: {  	v25 =	vsub.f32 v23, v25;
	v59 =	vmax.f32 v14, $0.0e+00;
	v14 =	vmax.f32 v48, $0.0e+00  }
0x8e: {  	v14 =	vmul.f32 v14, v17;
	v17 =	vmax.f32 v19, $0.0e+00;
	v19 =	vsub.f32 v47, v26  }
0x8f: {  	v23 =	vmul.f32 v59, v17;
	v17 =	vsub.f32 v57, v18;
	v18 =	vsub.f32 v50, v27  }
0x90: {  	v25 =	vmul.f32 v25, v43;
	v26 =	vmax.f32 v29, v8;
	v27 =	vadd.f32 v58, v9  }
0x91: {  	v60 =	vsub.f32 v26, v62;
	v19 =	vmax.f32 v19, $0.0e+00;
	v61 =	vmul.f32 v18, v15  }
0x92: {  	v62 =	vsub.f32 v37, v5;
	v26 =	vsub.f32 v35, v23;
	v19 =	vmul.f32 v19, v30  }
0x93: {  	v17 =	vmul.f32 v17, v60;
	v30 =	vsub.f32 v27, v14;
	(erf) = vrcp.f32 v61  }
0x94: {  	v15 =	vmul.f32 v32, v36;
	v31 =	vsub.f32 v31, v19;
	(erf) = vrcp.f32 v22  }
0x95: {  	v18 =	vsub.f32 v42, v6;
	v27 =	vand.u32 $0x7FFFFFFF, v16;
	(erf) = vrcp.f32 v26  }
0x96: {  	v16 =	vsub.f32 v20, v6;
	v20 =	vand.u32 $0x7FFFFFFF, v28;
	(erf) = vrcp.f32 v31  }
0x97: {  	v32 =	vsub.f32 v24, v15;
	v18 =	vand.u32 $0x7FFFFFFF, v18;
	v24 =	vand.u32 $0x7FFFFFFF, v39  }
0x98: {  	v28 =	vsub.f32 v41, v8;
	v63 =	vand.u32 $0x7FFFFFFF, v16;
	v18 =	vadd.f32 v24, v18  }
0x99: {  	v16 =	vsub.f32 v29, v8;
	v22 =	vsub.f32 v22, v30;
	(erf) = vrcp.f32 v30  }
0x9a: {  	v18 =	vadd.f32 v20, v18;
	v20 =	vsub.f32 v21, v7;
	(erf) = vrcp.f32 v25  }
0x9b: {  	v24 =	vand.u32 $0x7FFFFFFF, v62;
	v29 =	vsub.f32 v61, v31;
	(erf) = vrcp.f32 v32  }
0x9c: {  	v21 =	vand.u32 $0x7FFFFFFF, v34;
	v20 =	vand.u32 $0x7FFFFFFF, v20;
	(erf) = vrcp.f32 v17;
	v30 =	vpop (erf)  }
0x9d: {  	v31 =	vand.u32 $0x7FFFFFFF, v16;
	v21 =	vadd.f32 v20, v21;
	v20 =	vsub.f32 v17, v32;
	v16 =	vpop (erf)  }
0x9e: {  	s1 =	simm.s32 $0x100;
	v17 =	vsub.f32 v33, v5;
	v16 =	vmul.f32 v22, v16;
	v22 =	vadd.f32 v38, v63;
	v32 =	vpop (erf)  }
.LBB2_5:
0x9f: {  	s17 =	sshra.s32 s1, $0x2;
	p0 =	sne.s32 s1, $0x4E00;
	s1 =	sadd.s32 $0x100, s1;
	v25 =	vsub.f32 v25, v26;
	v13 =	vand.u32 $0x7FFFFFFF, v13;
	v26 =	vpop (erf)  }
0xa0: {  	v35 =	vmul.f32 v29, v30;
	v33 =	vld [tilespmem:s17+$0x5020];
	v34 =	vand.u32 $0x7FFFFFFF, v17;
	v17 =	vmul.f32 v26, v19  }
0xa1: {  	v29 =	vadd.f32 v31, v22;
	v22 =	vmul.f32 v32, v23;
	v13 =	vadd.f32 v13, v27;
	v26 =	vld [tilespmem:s17+$0x5010]  }
0xa2: {  	v12 =	vsub.f32 v12, v5;
	v27 =	vand.u32 $0x7FFFFFFF, v28;
	v23 =	vld [tilespmem:s17+$0x5030];
	v31 =	vsub.f32 v35, v17;
	v28 =	vpop (erf)  }
0xa3: {  	v10 =	vand.u32 $0x7FFFFFFF, v10;
	v11 =	vsub.f32 v11, v5;
	v13 =	vadd.f32 v27, v13;
	v30 =	vld [tilespmem:s17+$0x2800];
	v19 =	vpop (erf)  }
0xa4: {  	v10 =	vadd.f32 v10, v21;
	v12 =	vand.u32 $0x7FFFFFFF, v12;
	v27 =	vld [tilespmem:s17+$0x1430];
	v21 =	vmul.f32 v25, v19;
	v25 =	vpop (erf)  }
0xa5: {  	v11 =	vand.u32 $0x7FFFFFFF, v11;
	v12 =	vadd.f32 v12, v13;
	v13 =	vadd.f32 $1.000000000e+00, v31;
	v19 =	vld [tilespmem:s17+$0x30];
	v17 =	vpop (erf)  }
0xa6: {  	v32 =	vadd.f32 v24, v10;
	v14 =	vmul.f32 v28, v14;
	v28 =	vadd.f32 v11, v18;
	v31 =	vld [tilespmem:s17+$0x0]  }
0xa7: {  	v15 =	vmul.f32 v25, v15;
	v17 =	vmul.f32 v20, v17;
	v20 =	vsub.f32 v21, v22;
	v11 =	vld [tilespmem:s17+$0x1410]  }
0xa8: {  	v14 =	vsub.f32 v16, v14;
	v10 =	vsub.f32 v30, v8;
	v25 =	vmax.f32 v30, v8;
	v18 =	vld [tilespmem:s17+$0x10]  }
0xa9: {  	v24 =	vadd.f32 v26, v9;
	v30 =	vmin.f32 v30, v8;
	v15 =	vsub.f32 v17, v15;
	v16 =	vld [tilespmem:s17+$0x1400]  }
0xaa: {  	v37 =	vadd.f32 $1.000000000e+00, v20;
	v35 =	vmax.f32 v27, v7;
	v36 =	vmin.f32 v27, v7;
	v26 =	vld [tilespmem:s17+$0x2820]  }
0xab: {  	v41 =	vadd.f32 v13, v12;
	v40 =	vmax.f32 v19, v6;
	v38 =	vmin.f32 v31, v6;
	v39 =	vld [tilespmem:s17+$0x1420]  }
0xac: {  	v20 =	vld [tilespmem:s17+$0x2810];
	v12 =	vsub.f32 v11, v7;
	v42 =	vmax.f32 v11, v7;
	v43 =	vmin.f32 v11, v7  }
0xad: {  	v33 =	vadd.f32 v33, v9;
	v21 =	vsub.f32 v31, v6;
	v31 =	vmax.f32 v31, v6;
	v17 =	vld [tilespmem:s17+$0x3C10];
	[tilespmem:s0+$0x6630] =	vst v41  }
0xae: {  	v13 =	vsub.f32 v27, v7;
	v27 =	vmin.f32 v19, v6;
	v44 =	vmax.f32 v18, v6;
	v11 =	vld [tilespmem:s17+$0x3C20]  }
0xaf: {  	v46 =	vadd.f32 v23, v9;
	v23 =	vadd.f32 v34, v29;
	v22 =	vand.u32 $0x7FFFFFFF, v12;
	v45 =	vld [tilespmem:s17+$0x3C00]  }
0xb0: {  	v15 =	vadd.f32 $1.000000000e+00, v15;
	v29 =	vld [tilespmem:s17+$0x20];
	v34 =	vsub.f32 v39, v7;
	v47 =	vmax.f32 v39, v7  }
0xb1: {  	v14 =	vadd.f32 $1.000000000e+00, v14;
	v39 =	vmin.f32 v39, v7;
	v48 =	vmin.f32 v20, v8;
	v12 =	vld [tilespmem:s17+$0x3C30]  }
0xb2: {  	v25 =	vsub.f32 v25, v38;
	v38 =	vsub.f32 v26, v8;
	v49 =	vmax.f32 v26, v8;
	v50 =	vld [tilespmem:s17+$0x2830]  }
0xb3: {  	v14 =	vadd.f32 v14, v32;
	v26 =	vmin.f32 v26, v8;
	v51 =	vmin.f32 v17, v5  }
0xb4: {  	v28 =	vadd.f32 v37, v28;
	v42 =	vsub.f32 v51, v42;
	v32 =	vmax.f32 v45, v5  }
0xb5: {  	v30 =	vsub.f32 v30, v31;
	v31 =	vmin.f32 v18, v6;
	v37 =	vmax.f32 v11, v5;
	[tilespmem:s0+$0x6600] =	vst v14  }
0xb6: {  	v51 =	vmin.f32 v11, v5;
	v52 =	vmin.f32 v12, v5;
	[tilespmem:s0+$0x6620] =	vst v28;
	v28 =	vmin.f32 v28, v41  }
0xb7: {  	v41 =	vmax.f32 v16, v7;
	v54 =	vmax.f32 v12, v5;
	v53 =	vmax.f32 v50, v8  }
0xb8: {  	v47 =	vsub.f32 v51, v47;
	v55 =	vmax.f32 v29, v6;
	v51 =	vmin.f32 v50, v8  }
0xb9: {  	v15 =	vadd.f32 v15, v23;
	v56 =	vmin.f32 v16, v7;
	v42 =	vmax.f32 v42, $0.0e+00  }
0xba: {  	v23 =	vmin.f32 v45, v5;
	v26 =	vsub.f32 v26, v55;
	v27 =	vsub.f32 v53, v27  }
0xbb: {  	v14 =	vmin.f32 v14, v15;
	v53 =	vmin.f32 v29, v6;
	v40 =	vsub.f32 v51, v40;
	[tilespmem:s0+$0x6610] =	vst v15;
	s0 =	smov.u32 s17  }
0xbc: {  	v14 =	vmin.f32 v14, v28;
	v15 =	vmax.f32 v30, $0.0e+00;
	v30 =	vmax.f32 v17, v5  }
0xbd: {  	v23 =	vsub.f32 v23, v41;
	v4 =	vmin.f32 v4, v14;
	v28 =	vmax.f32 v40, $0.0e+00  }
0xbe: {  	v32 =	vsub.f32 v32, v56;
	v41 =	vsub.f32 v48, v44;
	v44 =	vmax.f32 v47, $0.0e+00;
	v40 =	vld [tilespmem:s0+$0x5000]  }
0xbf: {  	v37 =	vsub.f32 v37, v39;
	v14 =	vmax.f32 v23, $0.0e+00;
	v47 =	vsub.f32 v49, v53  }
0xc0: {  	v14 =	vmul.f32 v14, v15;
	v15 =	vmax.f32 v26, $0.0e+00;
	v26 =	vsub.f32 v52, v35  }
0xc1: {  	v32 =	vmul.f32 v32, v25;
	v35 =	vmax.f32 v20, v8;
	v23 =	vmul.f32 v44, v15  }
0xc2: {  	v25 =	vmul.f32 v37, v47;
	v15 =	vsub.f32 v30, v43;
	v30 =	vsub.f32 v54, v36  }
0xc3: {  	v31 =	vsub.f32 v35, v31;
	v35 =	vmax.f32 v26, $0.0e+00;
	v36 =	vadd.f32 v40, v9  }
0xc4: {  	v37 =	vmax.f32 v41, $0.0e+00;
	v26 =	vsub.f32 v33, v23;
	v30 =	vmul.f32 v30, v27  }
0xc5: {  	v33 =	vmul.f32 v15, v31;
	v27 =	vsub.f32 v19, v6;
	v19 =	vmul.f32 v35, v28  }
0xc6: {  	v15 =	vmul.f32 v42, v37;
	v31 =	vsub.f32 v36, v14;
	(erf) = vrcp.f32 v30  }
0xc7: {  	v28 =	vsub.f32 v29, v6;
	v29 =	vsub.f32 v46, v19;
	(erf) = vrcp.f32 v32  }
0xc8: {  	v35 =	vsub.f32 v24, v15;
	v32 =	vsub.f32 v32, v31;
	(erf) = vrcp.f32 v26  }
0xc9: {  	v24 =	vand.u32 $0x7FFFFFFF, v28;
	v28 =	vand.u32 $0x7FFFFFFF, v34;
	(erf) = vrcp.f32 v29  }
0xca: {  	v34 =	vsub.f32 v45, v5;
	v27 =	vand.u32 $0x7FFFFFFF, v27;
	v36 =	vadd.f32 v28, v24  }
0xcb: {  	v37 =	vsub.f32 v18, v6;
	v18 =	vand.u32 $0x7FFFFFFF, v38;
	v28 =	vsub.f32 v50, v8  }
0xcc: {  	v24 =	vand.u32 $0x7FFFFFFF, v34;
	v18 =	vadd.f32 v18, v36;
	(erf) = vrcp.f32 v31  }
.Ltmp5:
0xcd: {  	v38 =	vsub.f32 v16, v7;
	v34 =	vand.u32 $0x7FFFFFFF, v37;
	(erf) = vrcp.f32 v25;
	(pc) =	sbr.rel @p0 .LBB2_5-.Ltmp5, $4  }
0xce: {  	v20 =	vsub.f32 v20, v8;
	v29 =	vsub.f32 v30, v29;
	(erf) = vrcp.f32 v35  }
0xcf: {  	v21 =	vand.u32 $0x7FFFFFFF, v21;
	v36 =	vand.u32 $0x7FFFFFFF, v38;
	(erf) = vrcp.f32 v33;
	v30 =	vpop (erf)  }
0xd0: {  	v21 =	vadd.f32 v36, v21;
	v31 =	vand.u32 $0x7FFFFFFF, v20;
	v20 =	vsub.f32 v33, v35;
	v16 =	vpop (erf)  }
0xd1: {  	v17 =	vsub.f32 v17, v5;
	v22 =	vadd.f32 v22, v34;
	v16 =	vmul.f32 v32, v16;
	v32 =	vpop (erf)  }
0xd2: {  	v6 =	vsub.f32 v25, v26;
	v8 =	vand.u32 $0x7FFFFFFF, v13  }
0xd3: {  	v7 =	vpop (erf);
	v9 =	vmul.f32 v29, v30;
	v54 =	vmul.f32 v32, v23;
	v12 =	vsub.f32 v12, v5  }
0xd4: {  	v10 =	vand.u32 $0x7FFFFFFF, v10;
	v5 =	vsub.f32 v11, v5;
	v7 =	vmul.f32 v7, v19  }
0xd5: {  	v55 =	vand.u32 $0x7FFFFFFF, v28;
	v8 =	vadd.f32 v8, v27;
	v10 =	vadd.f32 v10, v21;
	v56 =	vpop (erf)  }
0xd6: {  	v53 =	vadd.f32 v31, v22;
	v58 =	vand.u32 $0x7FFFFFFF, v12;
	v7 =	vsub.f32 v9, v7;
	v57 =	vpop (erf)  }
0xd7: {  	v5 =	vand.u32 $0x7FFFFFFF, v5;
	v8 =	vadd.f32 v55, v8;
	v10 =	vadd.f32 v24, v10;
	v59 =	vpop (erf)  }
0xd8: {  	v5 =	vadd.f32 v5, v18;
	v9 =	vmul.f32 v56, v14;
	v6 =	vmul.f32 v6, v57;
	v60 =	vpop (erf)  }
0xd9: {  	v8 =	vadd.f32 v58, v8;
	v12 =	vmul.f32 v59, v15;
	v11 =	vmul.f32 v20, v60  }
0xda: {  	v9 =	vsub.f32 v16, v9;
	v6 =	vsub.f32 v6, v54  }
0xdb: {  	v7 =	vadd.f32 $1.000000000e+00, v7;
	v11 =	vsub.f32 v11, v12  }
0xdc: {  	v61 =	vand.u32 $0x7FFFFFFF, v17;
	v9 =	vadd.f32 $1.000000000e+00, v9;
	v6 =	vadd.f32 $1.000000000e+00, v6  }
0xdd: {  	v12 =	vadd.f32 v61, v53;
	v11 =	vadd.f32 $1.000000000e+00, v11  }
0xde: {  	v7 =	vadd.f32 v7, v8;
	v62 =	vadd.f32 v9, v10  }
0xdf: {  	v5 =	vadd.f32 v6, v5;
	v6 =	vadd.f32 v11, v12;
	_ =	sdelay $0x1  }
0xe0: {  	v63 =	vmin.f32 v5, v7;
	v10 =	vmin.f32 v62, v6  }
0xe1: {  	v9 =	vmin.f32 v10, v63  }
0xe2: {  	v4 =	vmin.f32 v4, v9  }
0xe3: {  	(xrf1) =	vsort.ascd.msk.f32 $0xffff, v4, v0;
	_ =	sdelay $0xa  }
0xe4: {  	[tilespmem:s0+$0x6630] =	vst v7  }
0xe5: {  	[tilespmem:s0+$0x6600] =	vst v62  }
0xe6: {  	[tilespmem:s0+$0x6620] =	vst v5  }
0xe7: {  	[tilespmem:s0+$0x6610] =	vst v6;
	v4, _, _ =	vpop (xrf1)  }
0xe8: {  	[tilespmem:$0x8E00] =	vst v4  }
0xe9: {  	s1 =	simm.s32 $0x6620;
	s0 =	simm.s32 $0x30;
	v4 =	vimm.s32 $0x0;
	v5 =	vld.idx.msk [tilespmem:v1+s24+$0x0], $0xffff  }
.LBB2_7:
0xea: {  	v6 =	vld [tilespmem:s1+$0xFFFFFFE0];
	_ =	sdelay $0x4  }
0xeb: {  	vm0 =	vle.f32 v6, v5  }
0xec: {  	v6 =	vsel vm0, $0x1, v2  }
0xed: {  	(xrf0) =	vadd.scan.msk.s32 $0xffff, v6;
	_ =	sdelay $0x5  }
0xee: {  	v6, _, _ =	vpop (xrf0)  }
0xef: {  	v6 =	vadd.s32 v6, v4  }
0xf0: {  	v6 =	vadd.s32 $0xFFFFFFFF, v6;
	_ =	sdelay $0x2  }
0xf1: {  	s17 =	sadd.s32 $0xFFFFFFD0, s0  }
0xf2: {  	v7 =	vor.u32 s17, v0  }
0xf3: {  	[tilespmem:v6+s25+$0x0] =	vst.idx.msk vm0, v7  }
0xf4: {  	v6 =	vld [tilespmem:s1+$0xFFFFFFF0];
	_ =	sdelay $0x4  }
0xf5: {  	vm1 =	vle.f32 v6, v5  }
0xf6: {  	v6 =	vsel vm1, $0x1, v2  }
0xf7: {  	(xrf0) =	vadd.scan.msk.s32 $0xffff, v6;
	_ =	sdelay $0x1  }
0xf8: {  	v6 =	vmpcnt.ones.xlane vm0;
	_ =	sdelay $0x3  }
0xf9: {  	v4 =	vadd.s32 v4, v6;
	v6, _, _ =	vpop (xrf0)  }
0xfa: {  	v6 =	vadd.s32 v6, v4  }
0xfb: {  	v6 =	vadd.s32 $0xFFFFFFFF, v6;
	_ =	sdelay $0x2  }
0xfc: {  	s17 =	sadd.s32 $0xFFFFFFE0, s0  }
0xfd: {  	v7 =	vor.u32 s17, v0  }
0xfe: {  	[tilespmem:v6+s25+$0x0] =	vst.idx.msk vm1, v7  }
0xff: {  	v6 =	vld [tilespmem:s1+$0x0];
	_ =	sdelay $0x4  }
0x100: {  	vm14 =	vle.f32 v6, v5  }
0x101: {  	v6 =	vsel vm14, $0x1, v2  }
0x102: {  	(xrf0) =	vadd.scan.msk.s32 $0xffff, v6;
	_ =	sdelay $0x1  }
0x103: {  	v6 =	vmpcnt.ones.xlane vm1;
	_ =	sdelay $0x3  }
0x104: {  	v4 =	vadd.s32 v4, v6;
	v6, _, _ =	vpop (xrf0)  }
0x105: {  	v6 =	vadd.s32 v6, v4  }
0x106: {  	v6 =	vadd.s32 $0xFFFFFFFF, v6;
	_ =	sdelay $0x2  }
0x107: {  	s17 =	sadd.s32 $0xFFFFFFF0, s0  }
0x108: {  	v7 =	vor.u32 s17, v0  }
0x109: {  	[tilespmem:v6+s25+$0x0] =	vst.idx.msk vm14, v7  }
0x10a: {  	v6 =	vld [tilespmem:s1+$0x10];
	_ =	sdelay $0x4  }
0x10b: {  	vm15 =	vle.f32 v6, v5  }
0x10c: {  	v6 =	vsel vm15, $0x1, v2  }
0x10d: {  	(xrf0) =	vadd.scan.msk.s32 $0xffff, v6;
	_ =	sdelay $0x1  }
0x10e: {  	v6 =	vmpcnt.ones.xlane vm14;
	_ =	sdelay $0x3  }
0x10f: {  	v4 =	vadd.s32 v4, v6;
	v6, _, _ =	vpop (xrf0)  }
0x110: {  	v6 =	vadd.s32 v6, v4  }
0x111: {  	p0 =	sne.s32 s0, $0x13B0;
	v6 =	vadd.s32 $0xFFFFFFFF, v6  }
.Ltmp6:
0x112: {  	_ = 	snop;
	(pc) =	sbr.rel @p0 .LBB2_7-.Ltmp6, $4  }
0x113: {  	_ = 	snop  }
0x114: {  	v7 =	vmpcnt.ones.xlane vm15  }
0x115: {  	v8 =	vor.u32 s0, v0  }
0x116: {  	s0 =	sadd.s32 $0x40, s0;
	s1 =	sadd.s32 $0x40, s1;
	v4 =	vadd.s32 v4, v7;
	[tilespmem:v6+s25+$0x0] =	vst.idx.msk vm15, v8  }
0x117: {  	v5 =	vxor.u32 $0x80000000, v4  }
0x118: {  	(xrf0) =	vmax.scan.msk.u32 $0xffff, v5;
	_ =	sdelay $0x5  }
0x119: {  	v5, _, _ =	vpop (xrf0)  }
0x11a: {  	(v2sf) =	vpush v5, $0xF;
	_ =	sdelay $0xe  }
0x11b: {  	s0 =	spop (v2sf)  }
0x11c: {  	s0 =	sadd.s32 $0x8000000F, s0  }
0x11d: {  	s1 =	sand.u32 $0xF, s0  }
0x11e: {  	s17 =	sshra.s32 s0, $0x1F;
	p1 =	slt.s32 s0, $0x1;
	p0 =	sne.s32 s1, $0x0  }
0x11f: {  	s1 =	sshrl.u32 s17, $0x1C;
	p0 =	por !p1, !p0  }
0x120: {  	s0 =	sadd.s32 s1, s0;
	s1 =	simm.s32 $0x1;
	p0 =	por !p0, !p0  }
0x121: {  	s0 =	sshra.s32 s0, $0x4;
	s1 =	simm.s32 @!p0 $0x0  }
0x122: {  	s0 =	ssub.s32 s0, s1  }
0x123: {  	p0 =	slt.s32 s0, $0x1  }
.Ltmp7:
0x124: {  	_ = 	snop;
	(pc) =	sbr.rel @p0 .LBB2_14-.Ltmp7, $2  }
0x125: {  	_ =	sdelay $0x2  }
0x126: {  	v5 =	vimm.s32 $0x0  }
0x127: {  	p1 =	sne.s32 s0, $0x1  }
.Ltmp8:
0x128: {  	s1 =	simm.s32 $0x7A00;
	(pc) =	sbr.rel @!p1 .LBB2_10-.Ltmp8, $2  }
0x129: {  	v7 =	vld [tilespmem:s1+$0x0];
	_ =	sdelay $0x2  }
0x12a: {  	v6 =	vimm.f32 $+Inf;
	s17 =	sadd.s32 $0xFFFFFFFF, s0;
	v10 =	vor.u32 s18, v0;
	p0 =	por $0x0, $0x0  }
0x12b: {  	vm0 =	vlt.s32 v10, v4  }
0x12c: {  	v7 =	vnsel vm0, $0x0, v7;
	_ =	sdelay $0x4  }
0x12d: {  	v8 =	vld.idx.msk [tilespmem:v7+s26+$0x0], $0xffff;
	_ =	sdelay $0x4  }
0x12e: {  	v8 =	vnsel vm0, $0x7F800000, v8  }
0x12f: {  	(xrf1) =	vsort.ascd.msk.f32 $0xffff, v8, v7;
	_ =	sdelay $0xc  }
0x130: {  	[tilespmem:$0x8E80] =	vst v5  }
0x131: {  	[tilespmem:$0x8E00] =	vst v6;
	v7, v8, _ =	vpop (xrf1)  }
0x132: {  	p1 =	sne.s32 s17, $0x1;
	[tilespmem:$0x8E10] =	vst v7  }
.Ltmp9:
0x133: {  	s0 =	simm.s32 $0x7A10;
	[tilespmem:$0x8E90] =	vst v8;
	(pc) =	sbr.rel @!p1 .LBB2_13-.Ltmp9, $4  }
0x134: {  	v7 =	vld [tilespmem:s0+$0x0]  }
0x135: {  	v8 =	vld.idx.msk [tilespmem:v3+s24+$0x0], $0xffff  }
0x136: {  	s1 =	simm.s32 $0x10;
	v9 =	vld.idx.msk [tilespmem:v3+s28+$0x0], $0xffff  }
0x137: {  	s17 =	sadd.s32 $0xFFFFFFFF, s17;
	p0 =	por $0x1, $0x1;
	v10 =	vor.u32 s1, v0  }
.LBB2_12:
0x138: {  	p1 =	sne.s32 s17, $0x1;
	s17 =	sadd.s32 $0xFFFFFFFF, s17;
	vm0 =	vlt.s32 v10, v4  }
0x139: {  	v7 =	vnsel vm0, $0x0, v7;
	_ =	sdelay $0x1  }
0x13a: {  	(xrf1) =	vsort.ascd.msk.f32 $0xffff, v8, v9;
	_ =	sdelay $0x2  }
0x13b: {  	v8 =	vld.idx.msk [tilespmem:v7+s26+$0x0], $0xffff;
	_ =	sdelay $0x5  }
0x13c: {  	v8 =	vnsel vm0, $0x7F800000, v8  }
0x13d: {  	(xrf1) =	vsort.ascd.msk.f32 $0xffff, v8, v7;
	_ =	sdelay $0x3  }
0x13e: {  	v7, v8, _ =	vpop (xrf1);
	_ =	sdelay $0x8  }
0x13f: {  	[tilespmem:$0x8E80] =	vst v8  }
0x140: {  	[tilespmem:$0x8E00] =	vst v7;
	v7, v8, _ =	vpop (xrf1)  }
0x141: {  	[tilespmem:$0x8E10] =	vst v7  }
0x142: {  	s0 =	sadd.s32 $0x10, s0;
	[tilespmem:$0x8E90] =	vst v8  }
.Ltmp10:
0x143: {  	v7 =	vld [tilespmem:s0+$0x0];
	(pc) =	sbr.rel @p1 .LBB2_12-.Ltmp10, $4  }
0x144: {  	v8 =	vld.idx.msk [tilespmem:v3+s24+$0x0], $0xffff  }
0x145: {  	v9 =	vld.idx.msk [tilespmem:v3+s28+$0x0], $0xffff  }
0x146: {  	s1 =	sadd.s32 $0x10, s1  }
0x147: {  	v10 =	vor.u32 s1, v0  }
.Ltmp11:
0x148: {  	_ = 	snop;
	(pc) =	sbr.rel .LBB2_13-.Ltmp11, $1  }
0x149: {  	_ =	sdelay $0x3  }
.LBB2_16:
0x14a: {  	_ =	sfence.sel $0x180000  }
0x14b: {  	[bflag:$0x0] =	sbarrier.arrive $0xFFFF  }
0x14c: {  	_ =	strace $0x90000047  }
0x14d: {  	s0 =	stileid.u32;
	[bflag:$0x2] =	sbarrier.arrive $0xFFFF  }
0x14e: {  	p0 =	sne.s32 s0, $0x0;
	s0 =	rddreg [dreg:$0x3]  }
0x14f: {  	s0 =	sadd.s32 @!p0 $0x100000, s0  }
0x150: {  	[sflag:s0] =	ssyncadd.tile.s32 @!p0 $0x1;
	_ =	shalt  }
.Lfunc_end2:
_tile_overlayer_lowered:
.L_overlay_start_2:
0x151: {  	(tag) =	ssettag $0x2  }
0x152: {  	s0 =	rddreg [dreg:$0x0];
	s2 =	stileid.u32  }
0x153: {  	s1 =	rddreg [dreg:$0x1];
	p0 =	sne.s32 s2, $0x0  }
0x154: {  	s3 =	rddreg [dreg:$0x2];
	[bflag:$0x3] =	sbarrier.arrive $0xFFFF;
	s2 =	simm.s32 @!p0 $0x1C01  }
0x155: {  	[timem:s3], [sflag:s2] =	dma.local @!p0 [hbm:s0], s1  }
0x156: {  	s0 =	simm.s32 @!p0 $0x1  }
0x157: {  	_ =	swait.ge @!p0 [sflag:s0], s1  }
0x158: {  	s1 =	ssub.s32 @!p0 $0x0, s1;
	[sflag:s0] =	ssyncset.done @!p0 $0x0  }
0x159: {  	[sflag:s0] =	ssyncadd.s32 @!p0 s1  }
0x15a: {  	[bflag:$0x3] =	sbarrier.arrive $0xFFFF  }
0x15b: {  	_ =	shalt  }

</sc_bundles>
